<compile_context>
chip_gen: v7x
topology: tpu7x:2x2x1
jax: 0.10.2.dev20260603
libtpu: 0.0.44.dev20260713+nightly
codegen_flags: <defaults>
</compile_context>

<pallas_src>
import functools

import jax
import jax.numpy as jnp
from jax import lax
from jax.experimental import pallas as pl
from jax.experimental.pallas import tpu as pltpu
from jax.experimental.pallas import tpu_sc as plsc

B = 32
N = 2048
S = 20
KP1 = 11
L = 16
CHUNKS = N // L
A = 4

_mesh = plsc.VectorSubcoreMesh(core_axis_name="c", subcore_axis_name="s")


def _bmerge(a, b):
    return lax.sort(jnp.minimum(a, lax.rev(b, (0,))))


@functools.partial(
    pl.kernel,
    out_type=jax.ShapeDtypeStruct((B, S * L), jnp.float32),
    mesh=_mesh,
    compiler_params=pltpu.CompilerParams(needs_layout_passes=False),
    scratch_types=[
        pltpu.VMEM((N,), jnp.float32),
        pltpu.VMEM((N,), jnp.float32),
        pltpu.VMEM((N,), jnp.float32),
        pltpu.VMEM((N,), jnp.float32),
        pltpu.VMEM((S * L,), jnp.float32),
    ],
)
def _sc_fps_topk(xyz_hbm, out_hbm, xv, yv, zv, dv, bv):
    b = lax.axis_index("s") * 2 + lax.axis_index("c")
    pltpu.sync_copy(xyz_hbm.at[0, b], xv)
    pltpu.sync_copy(xyz_hbm.at[1, b], yv)
    pltpu.sync_copy(xyz_hbm.at[2, b], zv)

    iota = lax.iota(jnp.int32, L)
    inf16 = jnp.full((L,), jnp.inf, jnp.float32)

    @plsc.parallel_loop(0, N, step=4 * L, unroll=2)
    def _init(off):
        for u in range(4):
            dv[pl.ds(off + u * L, L)] = jnp.full((L,), 1e10, jnp.float32)

    def fps_step(i, carry):
        cx, cy, cz = carry

        init = (*([inf16] * A),
                jnp.full((L,), -1.0, jnp.float32),
                jnp.zeros((L,), jnp.int32))

        @plsc.parallel_loop(0, N, step=A * L, unroll=4, carry=init)
        def res(off, ch):
            accs = list(ch[:A])
            mx, mi = ch[A], ch[A + 1]
            for u in range(A):
                base = off + u * L
                dx = xv[pl.ds(base, L)] - cx
                dy = yv[pl.ds(base, L)] - cy
                dz = zv[pl.ds(base, L)] - cz
                d2 = dx * dx + dy * dy + dz * dz
                nd = jnp.minimum(dv[pl.ds(base, L)], d2)
                dv[pl.ds(base, L)] = nd
                pos = iota + base
                upd = nd > mx
                mx = jnp.where(upd, nd, mx)
                mi = jnp.where(upd, pos, mi)
                accs[u] = _bmerge(accs[u], lax.sort(d2))
            return (*accs, mx, mi)

        accs, mx, mi = list(res[:A]), res[A], res[A + 1]

        gmax = jnp.max(mx)
        gidx = jnp.min(jnp.where(mx == gmax, mi, N))

        bv[pl.ds(i * L, L)] = _bmerge(_bmerge(accs[0], accs[1]),
                                      _bmerge(accs[2], accs[3]))

        gv = jnp.full((L,), gidx, jnp.int32)
        return (plsc.load_gather(xv, [gv]),
                plsc.load_gather(yv, [gv]),
                plsc.load_gather(zv, [gv]))

    c0 = (jnp.full((L,), xv[pl.ds(0, L)][0]),
          jnp.full((L,), yv[pl.ds(0, L)][0]),
          jnp.full((L,), zv[pl.ds(0, L)][0]))
    lax.fori_loop(0, S, fps_step, c0)
    pltpu.sync_copy(bv, out_hbm.at[b])


def _stats_body(a_ref, o_ref):
    x = a_ref[...]
    d = jnp.sqrt(jnp.maximum(x, 1e-12))
    lane = lax.broadcasted_iota(jnp.int32, (B * S, L), 1)
    dm = jnp.where(lane < KP1, d, 0.0)
    rowsum = jnp.sum(dm, axis=1, keepdims=True)
    rowmin = jnp.sum(jnp.where(lane == 0, d, 0.0), axis=1, keepdims=True)
    overall_mean = (jnp.sum(rowsum) - jnp.sum(rowmin)) / (B * S * (KP1 - 1))
    rm = rowsum / KP1
    mean_rm = jnp.sum(rm) / (B * S)
    var = jnp.sum((rm - mean_rm) ** 2) / (B * S - 1)
    o_ref[...] = jnp.reshape(var / (overall_mean * overall_mean), (1, 1))


def kernel(pcs):
    xyz = jnp.transpose(pcs, (2, 0, 1))
    best = _sc_fps_topk(xyz)
    out = pl.pallas_call(
        _stats_body,
        out_shape=jax.ShapeDtypeStruct((1, 1), jnp.float32),
    )(best.reshape(B * S, L))
    return out[0, 0]

# --- scband reference (transcript-rebuilt; emitter-appended) ---
"""Pipeline reference for scband-k-nnloss-38620345925716 (READ-ONLY COPY).

The authoritative reference and input builder live on the scoring server;
editing this copy changes nothing except your own understanding.
"""

import jax, jax.numpy as jnp
import numpy as np

K = 10
N_SEEDS = 20

def farthest_point_sample(xyz, npoint):
    # Deterministic variant: torch version picks a random start index;
    # here we start from index 0 for reproducibility.
    B, N, C = xyz.shape
    distance = jnp.full((B, N), 1e10, dtype=xyz.dtype)
    farthest = jnp.zeros((B,), dtype=jnp.int32)
    batch_indices = jnp.arange(B)
    centroids = []
    for i in range(npoint):
        centroids.append(farthest)
        centroid = xyz[batch_indices, farthest, :][:, None, :]  # [B,1,C]
        dist = jnp.sum((xyz - centroid) ** 2, -1)  # [B,N]
        distance = jnp.minimum(distance, dist)
        farthest = jnp.argmax(distance, axis=-1)
    return jnp.stack(centroids, axis=1)  # [B, npoint]


def setup_inputs(seed: int = 0) -> dict:
    key = jax.random.key(seed)
    pcs = jax.random.normal(key, (32, 2048, 3), dtype=jnp.float32)
    return {"pcs": pcs}


def reference(pcs) -> jnp.ndarray:
    n_seeds = N_SEEDS
    k = K
    seeds = farthest_point_sample(pcs, n_seeds)  # [B, n_seeds] int
    # seeds_value = stack([pc[seed] for ...]) -> gather along point dim
    seeds_value = jnp.take_along_axis(pcs, seeds[:, :, None], axis=1)  # [B, n_seeds, C]
    # pairwise differences pcs[B,N,1,C] - seeds[B,1,S,C]
    dist = pcs[:, :, None, :] - seeds_value[:, None, :, :]  # [B, N, S, C]
    # safe L2 norm (grad-stable at 0, matching torch.norm subgradient behavior)
    dist_value = jnp.sqrt(jnp.maximum(jnp.sum(dist * dist, axis=3), 1e-12))  # [B, N, S]
    dist_new = jnp.transpose(dist_value, (0, 2, 1))  # [B, S, N]
    # smallest k+1 via top_k on negated values
    neg_top, idx = jax.lax.top_k(-dist_new, k + 1)
    top_dist = -neg_top  # [B, S, k+1], ascending smallest distances
    overall_mean = jnp.mean(top_dist[:, :, 1:])
    top_dist = top_dist / overall_mean
    # torch.var default is unbiased (ddof=1) over all elements
    var = jnp.var(jnp.mean(top_dist, axis=2), ddof=1)
    return var

if __name__ == "__main__":
    import jax
    _d = setup_inputs()
    print(jax.jit(kernel)(*tuple(_d.values())))

</pallas_src>

<mosaic_0001>
#map = affine_map<(d0, d1) -> (0, 0, 0)>
#map1 = affine_map<(d0, d1) -> (0, 0)>
module attributes {stable_mosaic.version = 14 : i64} {
  func.func @_sc_fps_topk(%arg0: i32, %arg1: i32, %arg2: memref<3x32x2048xf32, #tpu.memory_space<hbm>>, %arg3: memref<32x320xf32, #tpu.memory_space<hbm>>, %arg4: memref<2048xf32, #tpu.memory_space<vmem>>, %arg5: memref<2048xf32, #tpu.memory_space<vmem>>, %arg6: memref<2048xf32, #tpu.memory_space<vmem>>, %arg7: memref<2048xf32, #tpu.memory_space<vmem>>, %arg8: memref<320xf32, #tpu.memory_space<vmem>>) attributes {dimension_semantics = [#tpu.dimension_semantics<core_parallel>, #tpu.dimension_semantics<subcore_parallel>], iteration_bounds = array<i64: 2, 16>, scalar_prefetch = 0 : i64, scratch_operands = 5 : i64, tpu.core_type = #tpu.core_type<sc_vector_subcore>, window_params = [{transform_indices = #map}, {transform_indices = #map1}]} {
    %mul3A = arith.constant 2 : i32
    %mul3A_0 = arith.muli %arg1, %mul3A : i32
    %add3A = arith.addi %mul3A_0, %arg0 : i32
    %run_scoped3A = arith.constant 0 : i32
    "tpu.region"() ({
      %run_scoped3A_23 = tpu.sem_alloc : memref<!tpu.dma_semaphore, #tpu.memory_space<semaphore_mem>>
      %dma_start3A = arith.constant 0 : i32
      %dma_start3A_24 = tpu.memref_slice %arg2[%run_scoped3A, %add3A, %dma_start3A] : memref<3x32x2048xf32, #tpu.memory_space<hbm>> -> memref<1x1x2048xf32, #tpu.memory_space<hbm>>
      %dma_start3A_25 = tpu.memref_squeeze %dma_start3A_24 : memref<1x1x2048xf32, #tpu.memory_space<hbm>> -> memref<2048xf32, #tpu.memory_space<hbm>>
      %dma_start3A_26 = arith.constant 0 : i32
      %dma_start3A_27 = tpu.memref_slice %arg2[%run_scoped3A, %add3A, %dma_start3A_26] : memref<3x32x2048xf32, #tpu.memory_space<hbm>> -> memref<1x1x2048xf32, #tpu.memory_space<hbm>>
      %dma_start3A_28 = tpu.memref_squeeze %dma_start3A_27 : memref<1x1x2048xf32, #tpu.memory_space<hbm>> -> memref<2048xf32, #tpu.memory_space<hbm>>
      tpu.enqueue_dma source(%dma_start3A_28 : memref<2048xf32, #tpu.memory_space<hbm>>) target(%arg4 : memref<2048xf32, #tpu.memory_space<vmem>>) target_semaphore(%run_scoped3A_23 : memref<!tpu.dma_semaphore, #tpu.memory_space<semaphore_mem>>)
      %dma_wait3A = arith.constant 0 : i32
      %dma_wait3A_29 = tpu.memref_slice %arg2[%run_scoped3A, %add3A, %dma_wait3A] : memref<3x32x2048xf32, #tpu.memory_space<hbm>> -> memref<1x1x2048xf32, #tpu.memory_space<hbm>>
      %dma_wait3A_30 = tpu.memref_squeeze %dma_wait3A_29 : memref<1x1x2048xf32, #tpu.memory_space<hbm>> -> memref<2048xf32, #tpu.memory_space<hbm>>
      %dma_wait3A_31 = arith.constant 0 : i32
      %dma_wait3A_32 = tpu.memref_slice %arg2[%run_scoped3A, %add3A, %dma_wait3A_31] : memref<3x32x2048xf32, #tpu.memory_space<hbm>> -> memref<1x1x2048xf32, #tpu.memory_space<hbm>>
      %dma_wait3A_33 = tpu.memref_squeeze %dma_wait3A_32 : memref<1x1x2048xf32, #tpu.memory_space<hbm>> -> memref<2048xf32, #tpu.memory_space<hbm>>
      tpu.wait_dma2 semaphore(%run_scoped3A_23 : memref<!tpu.dma_semaphore, #tpu.memory_space<semaphore_mem>>) src(%dma_wait3A_33 : memref<2048xf32, #tpu.memory_space<hbm>>) dst(%arg4 : memref<2048xf32, #tpu.memory_space<vmem>>)
      tpu.yield
    }) : () -> ()
    %run_scoped3A_1 = arith.constant 1 : i32
    "tpu.region"() ({
      %run_scoped3A_23 = tpu.sem_alloc : memref<!tpu.dma_semaphore, #tpu.memory_space<semaphore_mem>>
      %dma_start3A = arith.constant 0 : i32
      %dma_start3A_24 = tpu.memref_slice %arg2[%run_scoped3A_1, %add3A, %dma_start3A] : memref<3x32x2048xf32, #tpu.memory_space<hbm>> -> memref<1x1x2048xf32, #tpu.memory_space<hbm>>
      %dma_start3A_25 = tpu.memref_squeeze %dma_start3A_24 : memref<1x1x2048xf32, #tpu.memory_space<hbm>> -> memref<2048xf32, #tpu.memory_space<hbm>>
      %dma_start3A_26 = arith.constant 0 : i32
      %dma_start3A_27 = tpu.memref_slice %arg2[%run_scoped3A_1, %add3A, %dma_start3A_26] : memref<3x32x2048xf32, #tpu.memory_space<hbm>> -> memref<1x1x2048xf32, #tpu.memory_space<hbm>>
      %dma_start3A_28 = tpu.memref_squeeze %dma_start3A_27 : memref<1x1x2048xf32, #tpu.memory_space<hbm>> -> memref<2048xf32, #tpu.memory_space<hbm>>
      tpu.enqueue_dma source(%dma_start3A_28 : memref<2048xf32, #tpu.memory_space<hbm>>) target(%arg5 : memref<2048xf32, #tpu.memory_space<vmem>>) target_semaphore(%run_scoped3A_23 : memref<!tpu.dma_semaphore, #tpu.memory_space<semaphore_mem>>)
      %dma_wait3A = arith.constant 0 : i32
      %dma_wait3A_29 = tpu.memref_slice %arg2[%run_scoped3A_1, %add3A, %dma_wait3A] : memref<3x32x2048xf32, #tpu.memory_space<hbm>> -> memref<1x1x2048xf32, #tpu.memory_space<hbm>>
      %dma_wait3A_30 = tpu.memref_squeeze %dma_wait3A_29 : memref<1x1x2048xf32, #tpu.memory_space<hbm>> -> memref<2048xf32, #tpu.memory_space<hbm>>
      %dma_wait3A_31 = arith.constant 0 : i32
      %dma_wait3A_32 = tpu.memref_slice %arg2[%run_scoped3A_1, %add3A, %dma_wait3A_31] : memref<3x32x2048xf32, #tpu.memory_space<hbm>> -> memref<1x1x2048xf32, #tpu.memory_space<hbm>>
      %dma_wait3A_33 = tpu.memref_squeeze %dma_wait3A_32 : memref<1x1x2048xf32, #tpu.memory_space<hbm>> -> memref<2048xf32, #tpu.memory_space<hbm>>
      tpu.wait_dma2 semaphore(%run_scoped3A_23 : memref<!tpu.dma_semaphore, #tpu.memory_space<semaphore_mem>>) src(%dma_wait3A_33 : memref<2048xf32, #tpu.memory_space<hbm>>) dst(%arg5 : memref<2048xf32, #tpu.memory_space<vmem>>)
      tpu.yield
    }) : () -> ()
    %run_scoped3A_2 = arith.constant 2 : i32
    "tpu.region"() ({
      %run_scoped3A_23 = tpu.sem_alloc : memref<!tpu.dma_semaphore, #tpu.memory_space<semaphore_mem>>
      %dma_start3A = arith.constant 0 : i32
      %dma_start3A_24 = tpu.memref_slice %arg2[%run_scoped3A_2, %add3A, %dma_start3A] : memref<3x32x2048xf32, #tpu.memory_space<hbm>> -> memref<1x1x2048xf32, #tpu.memory_space<hbm>>
      %dma_start3A_25 = tpu.memref_squeeze %dma_start3A_24 : memref<1x1x2048xf32, #tpu.memory_space<hbm>> -> memref<2048xf32, #tpu.memory_space<hbm>>
      %dma_start3A_26 = arith.constant 0 : i32
      %dma_start3A_27 = tpu.memref_slice %arg2[%run_scoped3A_2, %add3A, %dma_start3A_26] : memref<3x32x2048xf32, #tpu.memory_space<hbm>> -> memref<1x1x2048xf32, #tpu.memory_space<hbm>>
      %dma_start3A_28 = tpu.memref_squeeze %dma_start3A_27 : memref<1x1x2048xf32, #tpu.memory_space<hbm>> -> memref<2048xf32, #tpu.memory_space<hbm>>
      tpu.enqueue_dma source(%dma_start3A_28 : memref<2048xf32, #tpu.memory_space<hbm>>) target(%arg6 : memref<2048xf32, #tpu.memory_space<vmem>>) target_semaphore(%run_scoped3A_23 : memref<!tpu.dma_semaphore, #tpu.memory_space<semaphore_mem>>)
      %dma_wait3A = arith.constant 0 : i32
      %dma_wait3A_29 = tpu.memref_slice %arg2[%run_scoped3A_2, %add3A, %dma_wait3A] : memref<3x32x2048xf32, #tpu.memory_space<hbm>> -> memref<1x1x2048xf32, #tpu.memory_space<hbm>>
      %dma_wait3A_30 = tpu.memref_squeeze %dma_wait3A_29 : memref<1x1x2048xf32, #tpu.memory_space<hbm>> -> memref<2048xf32, #tpu.memory_space<hbm>>
      %dma_wait3A_31 = arith.constant 0 : i32
      %dma_wait3A_32 = tpu.memref_slice %arg2[%run_scoped3A_2, %add3A, %dma_wait3A_31] : memref<3x32x2048xf32, #tpu.memory_space<hbm>> -> memref<1x1x2048xf32, #tpu.memory_space<hbm>>
      %dma_wait3A_33 = tpu.memref_squeeze %dma_wait3A_32 : memref<1x1x2048xf32, #tpu.memory_space<hbm>> -> memref<2048xf32, #tpu.memory_space<hbm>>
      tpu.wait_dma2 semaphore(%run_scoped3A_23 : memref<!tpu.dma_semaphore, #tpu.memory_space<semaphore_mem>>) src(%dma_wait3A_33 : memref<2048xf32, #tpu.memory_space<hbm>>) dst(%arg6 : memref<2048xf32, #tpu.memory_space<vmem>>)
      tpu.yield
    }) : () -> ()
    %iota3A = tpu.iota {dimensions = array<i32: 0>} : vector<16xi32>
    %broadcast_in_dim3A = arith.constant 0x7F800000 : f32
    %broadcast_in_dim3A_3 = vector.broadcast %broadcast_in_dim3A : f32 to vector<16xf32>
    %parallel_loop3A = arith.constant 0 : i32
    %parallel_loop3A_4 = arith.constant 2048 : i32
    %parallel_loop3A_5 = arith.constant 64 : i32
    scf.for %parallel_loop3A_23 = %parallel_loop3A to %parallel_loop3A_4 step %parallel_loop3A_5  : i32 {
      %parallel_loop3A_24 = arith.constant 1.000000e+10 : f32
      %parallel_loop3A_25 = vector.broadcast %parallel_loop3A_24 : f32 to vector<16xf32>
      %parallel_loop3A_26 = arith.constant 0 : i32
      %parallel_loop3A_27 = arith.addi %parallel_loop3A_23, %parallel_loop3A_26 : i32
      %parallel_loop3A_28 = arith.index_cast %parallel_loop3A_27 : i32 to index
      %parallel_loop3A_29 = tpu.vector_load %arg7[%parallel_loop3A_28] {strides = array<i32>} : memref<2048xf32, #tpu.memory_space<vmem>>, vector<16xf32>,
      tpu.vector_store %arg7[%parallel_loop3A_28], %parallel_loop3A_25 {strides = array<i32>} : memref<2048xf32, #tpu.memory_space<vmem>>, vector<16xf32>,
      %parallel_loop3A_30 = arith.constant 1.000000e+10 : f32
      %parallel_loop3A_31 = vector.broadcast %parallel_loop3A_30 : f32 to vector<16xf32>
      %parallel_loop3A_32 = arith.constant 16 : i32
      %parallel_loop3A_33 = arith.addi %parallel_loop3A_23, %parallel_loop3A_32 : i32
      %parallel_loop3A_34 = arith.index_cast %parallel_loop3A_33 : i32 to index
      %parallel_loop3A_35 = tpu.vector_load %arg7[%parallel_loop3A_34] {strides = array<i32>} : memref<2048xf32, #tpu.memory_space<vmem>>, vector<16xf32>,
      tpu.vector_store %arg7[%parallel_loop3A_34], %parallel_loop3A_31 {strides = array<i32>} : memref<2048xf32, #tpu.memory_space<vmem>>, vector<16xf32>,
      %parallel_loop3A_36 = arith.constant 1.000000e+10 : f32
      %parallel_loop3A_37 = vector.broadcast %parallel_loop3A_36 : f32 to vector<16xf32>
      %parallel_loop3A_38 = arith.constant 32 : i32
      %parallel_loop3A_39 = arith.addi %parallel_loop3A_23, %parallel_loop3A_38 : i32
      %parallel_loop3A_40 = arith.index_cast %parallel_loop3A_39 : i32 to index
      %parallel_loop3A_41 = tpu.vector_load %arg7[%parallel_loop3A_40] {strides = array<i32>} : memref<2048xf32, #tpu.memory_space<vmem>>, vector<16xf32>,
      tpu.vector_store %arg7[%parallel_loop3A_40], %parallel_loop3A_37 {strides = array<i32>} : memref<2048xf32, #tpu.memory_space<vmem>>, vector<16xf32>,
      %parallel_loop3A_42 = arith.constant 1.000000e+10 : f32
      %parallel_loop3A_43 = vector.broadcast %parallel_loop3A_42 : f32 to vector<16xf32>
      %parallel_loop3A_44 = arith.constant 48 : i32
      %parallel_loop3A_45 = arith.addi %parallel_loop3A_23, %parallel_loop3A_44 : i32
      %parallel_loop3A_46 = arith.index_cast %parallel_loop3A_45 : i32 to index
      %parallel_loop3A_47 = tpu.vector_load %arg7[%parallel_loop3A_46] {strides = array<i32>} : memref<2048xf32, #tpu.memory_space<vmem>>, vector<16xf32>,
      tpu.vector_store %arg7[%parallel_loop3A_46], %parallel_loop3A_43 {strides = array<i32>} : memref<2048xf32, #tpu.memory_space<vmem>>, vector<16xf32>,
    } {sc.loop_unroll_factor = 2 : i64, sc.parallel_access}
    %get3A = arith.constant 0 : index
    %get3A_6 = tpu.vector_load %arg4[%get3A] {strides = array<i32>} : memref<2048xf32, #tpu.memory_space<vmem>>, vector<16xf32>,
    %slice3A = vector.extract_strided_slice %get3A_6 {offsets = [0], sizes = [1], strides = [1]} : vector<16xf32> to vector<1xf32>
    %squeeze3A = vector.extract %slice3A[0] : f32 from vector<1xf32>
    %broadcast_in_dim3A_7 = vector.broadcast %squeeze3A : f32 to vector<16xf32>
    %get3A_8 = arith.constant 0 : index
    %get3A_9 = tpu.vector_load %arg5[%get3A_8] {strides = array<i32>} : memref<2048xf32, #tpu.memory_space<vmem>>, vector<16xf32>,
    %slice3A_10 = vector.extract_strided_slice %get3A_9 {offsets = [0], sizes = [1], strides = [1]} : vector<16xf32> to vector<1xf32>
    %squeeze3A_11 = vector.extract %slice3A_10[0] : f32 from vector<1xf32>
    %broadcast_in_dim3A_12 = vector.broadcast %squeeze3A_11 : f32 to vector<16xf32>
    %get3A_13 = arith.constant 0 : index
    %get3A_14 = tpu.vector_load %arg6[%get3A_13] {strides = array<i32>} : memref<2048xf32, #tpu.memory_space<vmem>>, vector<16xf32>,
    %slice3A_15 = vector.extract_strided_slice %get3A_14 {offsets = [0], sizes = [1], strides = [1]} : vector<16xf32> to vector<1xf32>
    %squeeze3A_16 = vector.extract %slice3A_15[0] : f32 from vector<1xf32>
    %broadcast_in_dim3A_17 = vector.broadcast %squeeze3A_16 : f32 to vector<16xf32>
    %scan3A = arith.constant 0 : i32
    %scan3A_18 = arith.constant 20 : i32
    %scan3A_19 = arith.addi %scan3A, %scan3A_18 : i32
    %scan3A_20 = arith.constant 1 : i32
    %scan3A_21:3 = scf.for %scan3A_23 = %scan3A to %scan3A_19 step %scan3A_20 iter_args(%scan3A_24 = %broadcast_in_dim3A_7, %scan3A_25 = %broadcast_in_dim3A_12, %scan3A_26 = %broadcast_in_dim3A_17) -> (vector<16xf32>, vector<16xf32>, vector<16xf32>)  : i32 {
      %broadcast_in_dim3A_27 = arith.constant -1.000000e+00 : f32
      %broadcast_in_dim3A_28 = vector.broadcast %broadcast_in_dim3A_27 : f32 to vector<16xf32>
      %broadcast_in_dim3A_29 = arith.constant 0 : i32
      %broadcast_in_dim3A_30 = vector.broadcast %broadcast_in_dim3A_29 : i32 to vector<16xi32>
      %parallel_loop3A_31 = arith.constant 0 : i32
      %parallel_loop3A_32 = arith.constant 2048 : i32
      %parallel_loop3A_33 = arith.constant 64 : i32
      %parallel_loop3A_34:6 = scf.for %parallel_loop3A_80 = %parallel_loop3A_31 to %parallel_loop3A_32 step %parallel_loop3A_33 iter_args(%parallel_loop3A_81 = %broadcast_in_dim3A_3, %parallel_loop3A_82 = %broadcast_in_dim3A_3, %parallel_loop3A_83 = %broadcast_in_dim3A_3, %parallel_loop3A_84 = %broadcast_in_dim3A_3, %parallel_loop3A_85 = %broadcast_in_dim3A_28, %parallel_loop3A_86 = %broadcast_in_dim3A_30) -> (vector<16xf32>, vector<16xf32>, vector<16xf32>, vector<16xf32>, vector<16xf32>, vector<16xi32>)  : i32 {
        %parallel_loop3A_87 = arith.constant 0 : i32
        %parallel_loop3A_88 = arith.addi %parallel_loop3A_80, %parallel_loop3A_87 : i32
        %parallel_loop3A_89 = arith.index_cast %parallel_loop3A_88 : i32 to index
        %parallel_loop3A_90 = tpu.vector_load %arg4[%parallel_loop3A_89] {strides = array<i32>} : memref<2048xf32, #tpu.memory_space<vmem>>, vector<16xf32>,
        %parallel_loop3A_91 = arith.subf %parallel_loop3A_90, %scan3A_24 : vector<16xf32>
        %parallel_loop3A_92 = arith.index_cast %parallel_loop3A_88 : i32 to index
        %parallel_loop3A_93 = tpu.vector_load %arg5[%parallel_loop3A_92] {strides = array<i32>} : memref<2048xf32, #tpu.memory_space<vmem>>, vector<16xf32>,
        %parallel_loop3A_94 = arith.subf %parallel_loop3A_93, %scan3A_25 : vector<16xf32>
        %parallel_loop3A_95 = arith.index_cast %parallel_loop3A_88 : i32 to index
        %parallel_loop3A_96 = tpu.vector_load %arg6[%parallel_loop3A_95] {strides = array<i32>} : memref<2048xf32, #tpu.memory_space<vmem>>, vector<16xf32>,
        %parallel_loop3A_97 = arith.subf %parallel_loop3A_96, %scan3A_26 : vector<16xf32>
        %parallel_loop3A_98 = arith.mulf %parallel_loop3A_91, %parallel_loop3A_91 : vector<16xf32>
        %parallel_loop3A_99 = arith.mulf %parallel_loop3A_94, %parallel_loop3A_94 : vector<16xf32>
        %parallel_loop3A_100 = arith.addf %parallel_loop3A_98, %parallel_loop3A_99 : vector<16xf32>
        %parallel_loop3A_101 = arith.mulf %parallel_loop3A_97, %parallel_loop3A_97 : vector<16xf32>
        %parallel_loop3A_102 = arith.addf %parallel_loop3A_100, %parallel_loop3A_101 : vector<16xf32>
        %parallel_loop3A_103 = arith.index_cast %parallel_loop3A_88 : i32 to index
        %parallel_loop3A_104 = tpu.vector_load %arg7[%parallel_loop3A_103] {strides = array<i32>} : memref<2048xf32, #tpu.memory_space<vmem>>, vector<16xf32>,
        %parallel_loop3A_105 = arith.minimumf %parallel_loop3A_104, %parallel_loop3A_102 : vector<16xf32>
        %parallel_loop3A_106 = arith.index_cast %parallel_loop3A_88 : i32 to index
        %parallel_loop3A_107 = tpu.vector_load %arg7[%parallel_loop3A_106] {strides = array<i32>} : memref<2048xf32, #tpu.memory_space<vmem>>, vector<16xf32>,
        tpu.vector_store %arg7[%parallel_loop3A_106], %parallel_loop3A_105 {strides = array<i32>} : memref<2048xf32, #tpu.memory_space<vmem>>, vector<16xf32>,
        %parallel_loop3A_108 = vector.broadcast %parallel_loop3A_88 : i32 to vector<16xi32>
        %parallel_loop3A_109 = arith.addi %iota3A, %parallel_loop3A_108 : vector<16xi32>
        %parallel_loop3A_110 = arith.cmpf ogt, %parallel_loop3A_105, %parallel_loop3A_85 : vector<16xf32>
        %parallel_loop3A_111 = arith.select %parallel_loop3A_110, %parallel_loop3A_105, %parallel_loop3A_85 : vector<16xi1>, vector<16xf32>
        %parallel_loop3A_112 = arith.select %parallel_loop3A_110, %parallel_loop3A_109, %parallel_loop3A_86 : vector<16xi1>, vector<16xi32>
        %parallel_loop3A_113 = arith.constant dense<true> : vector<16xi1>
        %parallel_loop3A_114, %parallel_loop3A_115, %parallel_loop3A_116 = tpu.sort %parallel_loop3A_102, %parallel_loop3A_102 masked %parallel_loop3A_113 : (vector<16xf32>, vector<16xf32>, vector<16xi1>) -> (vector<16xi1>, vector<16xf32>, vector<16xf32>)
        %parallel_loop3A_117 = arith.constant 15 : i32
        %parallel_loop3A_118 = vector.broadcast %parallel_loop3A_117 : i32 to vector<16xi32>
        %parallel_loop3A_119 = tpu.iota {dimensions = array<i32: 0>} : vector<16xi32>
        %parallel_loop3A_120 = arith.subi %parallel_loop3A_118, %parallel_loop3A_119 : vector<16xi32>
        %parallel_loop3A_121 = tpu.dynamic_gather %parallel_loop3A_115[%parallel_loop3A_120] in [0] : vector<16xf32>, vector<16xi32> -> vector<16xf32>
        %parallel_loop3A_122 = arith.minimumf %parallel_loop3A_81, %parallel_loop3A_121 : vector<16xf32>
        %parallel_loop3A_123 = arith.constant dense<true> : vector<16xi1>
        %parallel_loop3A_124, %parallel_loop3A_125, %parallel_loop3A_126 = tpu.sort %parallel_loop3A_122, %parallel_loop3A_122 masked %parallel_loop3A_123 : (vector<16xf32>, vector<16xf32>, vector<16xi1>) -> (vector<16xi1>, vector<16xf32>, vector<16xf32>)
        %parallel_loop3A_127 = arith.constant 16 : i32
        %parallel_loop3A_128 = arith.addi %parallel_loop3A_80, %parallel_loop3A_127 : i32
        %parallel_loop3A_129 = arith.index_cast %parallel_loop3A_128 : i32 to index
        %parallel_loop3A_130 = tpu.vector_load %arg4[%parallel_loop3A_129] {strides = array<i32>} : memref<2048xf32, #tpu.memory_space<vmem>>, vector<16xf32>,
        %parallel_loop3A_131 = arith.subf %parallel_loop3A_130, %scan3A_24 : vector<16xf32>
        %parallel_loop3A_132 = arith.index_cast %parallel_loop3A_128 : i32 to index
        %parallel_loop3A_133 = tpu.vector_load %arg5[%parallel_loop3A_132] {strides = array<i32>} : memref<2048xf32, #tpu.memory_space<vmem>>, vector<16xf32>,
        %parallel_loop3A_134 = arith.subf %parallel_loop3A_133, %scan3A_25 : vector<16xf32>
        %parallel_loop3A_135 = arith.index_cast %parallel_loop3A_128 : i32 to index
        %parallel_loop3A_136 = tpu.vector_load %arg6[%parallel_loop3A_135] {strides = array<i32>} : memref<2048xf32, #tpu.memory_space<vmem>>, vector<16xf32>,
        %parallel_loop3A_137 = arith.subf %parallel_loop3A_136, %scan3A_26 : vector<16xf32>
        %parallel_loop3A_138 = arith.mulf %parallel_loop3A_131, %parallel_loop3A_131 : vector<16xf32>
        %parallel_loop3A_139 = arith.mulf %parallel_loop3A_134, %parallel_loop3A_134 : vector<16xf32>
        %parallel_loop3A_140 = arith.addf %parallel_loop3A_138, %parallel_loop3A_139 : vector<16xf32>
        %parallel_loop3A_141 = arith.mulf %parallel_loop3A_137, %parallel_loop3A_137 : vector<16xf32>
        %parallel_loop3A_142 = arith.addf %parallel_loop3A_140, %parallel_loop3A_141 : vector<16xf32>
        %parallel_loop3A_143 = arith.index_cast %parallel_loop3A_128 : i32 to index
        %parallel_loop3A_144 = tpu.vector_load %arg7[%parallel_loop3A_143] {strides = array<i32>} : memref<2048xf32, #tpu.memory_space<vmem>>, vector<16xf32>,
        %parallel_loop3A_145 = arith.minimumf %parallel_loop3A_144, %parallel_loop3A_142 : vector<16xf32>
        %parallel_loop3A_146 = arith.index_cast %parallel_loop3A_128 : i32 to index
        %parallel_loop3A_147 = tpu.vector_load %arg7[%parallel_loop3A_146] {strides = array<i32>} : memref<2048xf32, #tpu.memory_space<vmem>>, vector<16xf32>,
        tpu.vector_store %arg7[%parallel_loop3A_146], %parallel_loop3A_145 {strides = array<i32>} : memref<2048xf32, #tpu.memory_space<vmem>>, vector<16xf32>,
        %parallel_loop3A_148 = vector.broadcast %parallel_loop3A_128 : i32 to vector<16xi32>
        %parallel_loop3A_149 = arith.addi %iota3A, %parallel_loop3A_148 : vector<16xi32>
        %parallel_loop3A_150 = arith.cmpf ogt, %parallel_loop3A_145, %parallel_loop3A_111 : vector<16xf32>
        %parallel_loop3A_151 = arith.select %parallel_loop3A_150, %parallel_loop3A_145, %parallel_loop3A_111 : vector<16xi1>, vector<16xf32>
        %parallel_loop3A_152 = arith.select %parallel_loop3A_150, %parallel_loop3A_149, %parallel_loop3A_112 : vector<16xi1>, vector<16xi32>
        %parallel_loop3A_153 = arith.constant dense<true> : vector<16xi1>
        %parallel_loop3A_154, %parallel_loop3A_155, %parallel_loop3A_156 = tpu.sort %parallel_loop3A_142, %parallel_loop3A_142 masked %parallel_loop3A_153 : (vector<16xf32>, vector<16xf32>, vector<16xi1>) -> (vector<16xi1>, vector<16xf32>, vector<16xf32>)
        %parallel_loop3A_157 = arith.constant 15 : i32
        %parallel_loop3A_158 = vector.broadcast %parallel_loop3A_157 : i32 to vector<16xi32>
        %parallel_loop3A_159 = tpu.iota {dimensions = array<i32: 0>} : vector<16xi32>
        %parallel_loop3A_160 = arith.subi %parallel_loop3A_158, %parallel_loop3A_159 : vector<16xi32>
        %parallel_loop3A_161 = tpu.dynamic_gather %parallel_loop3A_155[%parallel_loop3A_160] in [0] : vector<16xf32>, vector<16xi32> -> vector<16xf32>
        %parallel_loop3A_162 = arith.minimumf %parallel_loop3A_82, %parallel_loop3A_161 : vector<16xf32>
        %parallel_loop3A_163 = arith.constant dense<true> : vector<16xi1>
        %parallel_loop3A_164, %parallel_loop3A_165, %parallel_loop3A_166 = tpu.sort %parallel_loop3A_162, %parallel_loop3A_162 masked %parallel_loop3A_163 : (vector<16xf32>, vector<16xf32>, vector<16xi1>) -> (vector<16xi1>, vector<16xf32>, vector<16xf32>)
        %parallel_loop3A_167 = arith.constant 32 : i32
        %parallel_loop3A_168 = arith.addi %parallel_loop3A_80, %parallel_loop3A_167 : i32
        %parallel_loop3A_169 = arith.index_cast %parallel_loop3A_168 : i32 to index
        %parallel_loop3A_170 = tpu.vector_load %arg4[%parallel_loop3A_169] {strides = array<i32>} : memref<2048xf32, #tpu.memory_space<vmem>>, vector<16xf32>,
        %parallel_loop3A_171 = arith.subf %parallel_loop3A_170, %scan3A_24 : vector<16xf32>
        %parallel_loop3A_172 = arith.index_cast %parallel_loop3A_168 : i32 to index
        %parallel_loop3A_173 = tpu.vector_load %arg5[%parallel_loop3A_172] {strides = array<i32>} : memref<2048xf32, #tpu.memory_space<vmem>>, vector<16xf32>,
        %parallel_loop3A_174 = arith.subf %parallel_loop3A_173, %scan3A_25 : vector<16xf32>
        %parallel_loop3A_175 = arith.index_cast %parallel_loop3A_168 : i32 to index
        %parallel_loop3A_176 = tpu.vector_load %arg6[%parallel_loop3A_175] {strides = array<i32>} : memref<2048xf32, #tpu.memory_space<vmem>>, vector<16xf32>,
        %parallel_loop3A_177 = arith.subf %parallel_loop3A_176, %scan3A_26 : vector<16xf32>
        %parallel_loop3A_178 = arith.mulf %parallel_loop3A_171, %parallel_loop3A_171 : vector<16xf32>
        %parallel_loop3A_179 = arith.mulf %parallel_loop3A_174, %parallel_loop3A_174 : vector<16xf32>
        %parallel_loop3A_180 = arith.addf %parallel_loop3A_178, %parallel_loop3A_179 : vector<16xf32>
        %parallel_loop3A_181 = arith.mulf %parallel_loop3A_177, %parallel_loop3A_177 : vector<16xf32>
        %parallel_loop3A_182 = arith.addf %parallel_loop3A_180, %parallel_loop3A_181 : vector<16xf32>
        %parallel_loop3A_183 = arith.index_cast %parallel_loop3A_168 : i32 to index
        %parallel_loop3A_184 = tpu.vector_load %arg7[%parallel_loop3A_183] {strides = array<i32>} : memref<2048xf32, #tpu.memory_space<vmem>>, vector<16xf32>,
        %parallel_loop3A_185 = arith.minimumf %parallel_loop3A_184, %parallel_loop3A_182 : vector<16xf32>
        %parallel_loop3A_186 = arith.index_cast %parallel_loop3A_168 : i32 to index
        %parallel_loop3A_187 = tpu.vector_load %arg7[%parallel_loop3A_186] {strides = array<i32>} : memref<2048xf32, #tpu.memory_space<vmem>>, vector<16xf32>,
        tpu.vector_store %arg7[%parallel_loop3A_186], %parallel_loop3A_185 {strides = array<i32>} : memref<2048xf32, #tpu.memory_space<vmem>>, vector<16xf32>,
        %parallel_loop3A_188 = vector.broadcast %parallel_loop3A_168 : i32 to vector<16xi32>
        %parallel_loop3A_189 = arith.addi %iota3A, %parallel_loop3A_188 : vector<16xi32>
        %parallel_loop3A_190 = arith.cmpf ogt, %parallel_loop3A_185, %parallel_loop3A_151 : vector<16xf32>
        %parallel_loop3A_191 = arith.select %parallel_loop3A_190, %parallel_loop3A_185, %parallel_loop3A_151 : vector<16xi1>, vector<16xf32>
        %parallel_loop3A_192 = arith.select %parallel_loop3A_190, %parallel_loop3A_189, %parallel_loop3A_152 : vector<16xi1>, vector<16xi32>
        %parallel_loop3A_193 = arith.constant dense<true> : vector<16xi1>
        %parallel_loop3A_194, %parallel_loop3A_195, %parallel_loop3A_196 = tpu.sort %parallel_loop3A_182, %parallel_loop3A_182 masked %parallel_loop3A_193 : (vector<16xf32>, vector<16xf32>, vector<16xi1>) -> (vector<16xi1>, vector<16xf32>, vector<16xf32>)
        %parallel_loop3A_197 = arith.constant 15 : i32
        %parallel_loop3A_198 = vector.broadcast %parallel_loop3A_197 : i32 to vector<16xi32>
        %parallel_loop3A_199 = tpu.iota {dimensions = array<i32: 0>} : vector<16xi32>
        %parallel_loop3A_200 = arith.subi %parallel_loop3A_198, %parallel_loop3A_199 : vector<16xi32>
        %parallel_loop3A_201 = tpu.dynamic_gather %parallel_loop3A_195[%parallel_loop3A_200] in [0] : vector<16xf32>, vector<16xi32> -> vector<16xf32>
        %parallel_loop3A_202 = arith.minimumf %parallel_loop3A_83, %parallel_loop3A_201 : vector<16xf32>
        %parallel_loop3A_203 = arith.constant dense<true> : vector<16xi1>
        %parallel_loop3A_204, %parallel_loop3A_205, %parallel_loop3A_206 = tpu.sort %parallel_loop3A_202, %parallel_loop3A_202 masked %parallel_loop3A_203 : (vector<16xf32>, vector<16xf32>, vector<16xi1>) -> (vector<16xi1>, vector<16xf32>, vector<16xf32>)
        %parallel_loop3A_207 = arith.constant 48 : i32
        %parallel_loop3A_208 = arith.addi %parallel_loop3A_80, %parallel_loop3A_207 : i32
        %parallel_loop3A_209 = arith.index_cast %parallel_loop3A_208 : i32 to index
        %parallel_loop3A_210 = tpu.vector_load %arg4[%parallel_loop3A_209] {strides = array<i32>} : memref<2048xf32, #tpu.memory_space<vmem>>, vector<16xf32>,
        %parallel_loop3A_211 = arith.subf %parallel_loop3A_210, %scan3A_24 : vector<16xf32>
        %parallel_loop3A_212 = arith.index_cast %parallel_loop3A_208 : i32 to index
        %parallel_loop3A_213 = tpu.vector_load %arg5[%parallel_loop3A_212] {strides = array<i32>} : memref<2048xf32, #tpu.memory_space<vmem>>, vector<16xf32>,
        %parallel_loop3A_214 = arith.subf %parallel_loop3A_213, %scan3A_25 : vector<16xf32>
        %parallel_loop3A_215 = arith.index_cast %parallel_loop3A_208 : i32 to index
        %parallel_loop3A_216 = tpu.vector_load %arg6[%parallel_loop3A_215] {strides = array<i32>} : memref<2048xf32, #tpu.memory_space<vmem>>, vector<16xf32>,
        %parallel_loop3A_217 = arith.subf %parallel_loop3A_216, %scan3A_26 : vector<16xf32>
        %parallel_loop3A_218 = arith.mulf %parallel_loop3A_211, %parallel_loop3A_211 : vector<16xf32>
        %parallel_loop3A_219 = arith.mulf %parallel_loop3A_214, %parallel_loop3A_214 : vector<16xf32>
        %parallel_loop3A_220 = arith.addf %parallel_loop3A_218, %parallel_loop3A_219 : vector<16xf32>
        %parallel_loop3A_221 = arith.mulf %parallel_loop3A_217, %parallel_loop3A_217 : vector<16xf32>
        %parallel_loop3A_222 = arith.addf %parallel_loop3A_220, %parallel_loop3A_221 : vector<16xf32>
        %parallel_loop3A_223 = arith.index_cast %parallel_loop3A_208 : i32 to index
        %parallel_loop3A_224 = tpu.vector_load %arg7[%parallel_loop3A_223] {strides = array<i32>} : memref<2048xf32, #tpu.memory_space<vmem>>, vector<16xf32>,
        %parallel_loop3A_225 = arith.minimumf %parallel_loop3A_224, %parallel_loop3A_222 : vector<16xf32>
        %parallel_loop3A_226 = arith.index_cast %parallel_loop3A_208 : i32 to index
        %parallel_loop3A_227 = tpu.vector_load %arg7[%parallel_loop3A_226] {strides = array<i32>} : memref<2048xf32, #tpu.memory_space<vmem>>, vector<16xf32>,
        tpu.vector_store %arg7[%parallel_loop3A_226], %parallel_loop3A_225 {strides = array<i32>} : memref<2048xf32, #tpu.memory_space<vmem>>, vector<16xf32>,
        %parallel_loop3A_228 = vector.broadcast %parallel_loop3A_208 : i32 to vector<16xi32>
        %parallel_loop3A_229 = arith.addi %iota3A, %parallel_loop3A_228 : vector<16xi32>
        %parallel_loop3A_230 = arith.cmpf ogt, %parallel_loop3A_225, %parallel_loop3A_191 : vector<16xf32>
        %parallel_loop3A_231 = arith.select %parallel_loop3A_230, %parallel_loop3A_225, %parallel_loop3A_191 : vector<16xi1>, vector<16xf32>
        %parallel_loop3A_232 = arith.select %parallel_loop3A_230, %parallel_loop3A_229, %parallel_loop3A_192 : vector<16xi1>, vector<16xi32>
        %parallel_loop3A_233 = arith.constant dense<true> : vector<16xi1>
        %parallel_loop3A_234, %parallel_loop3A_235, %parallel_loop3A_236 = tpu.sort %parallel_loop3A_222, %parallel_loop3A_222 masked %parallel_loop3A_233 : (vector<16xf32>, vector<16xf32>, vector<16xi1>) -> (vector<16xi1>, vector<16xf32>, vector<16xf32>)
        %parallel_loop3A_237 = arith.constant 15 : i32
        %parallel_loop3A_238 = vector.broadcast %parallel_loop3A_237 : i32 to vector<16xi32>
        %parallel_loop3A_239 = tpu.iota {dimensions = array<i32: 0>} : vector<16xi32>
        %parallel_loop3A_240 = arith.subi %parallel_loop3A_238, %parallel_loop3A_239 : vector<16xi32>
        %parallel_loop3A_241 = tpu.dynamic_gather %parallel_loop3A_235[%parallel_loop3A_240] in [0] : vector<16xf32>, vector<16xi32> -> vector<16xf32>
        %parallel_loop3A_242 = arith.minimumf %parallel_loop3A_84, %parallel_loop3A_241 : vector<16xf32>
        %parallel_loop3A_243 = arith.constant dense<true> : vector<16xi1>
        %parallel_loop3A_244, %parallel_loop3A_245, %parallel_loop3A_246 = tpu.sort %parallel_loop3A_242, %parallel_loop3A_242 masked %parallel_loop3A_243 : (vector<16xf32>, vector<16xf32>, vector<16xi1>) -> (vector<16xi1>, vector<16xf32>, vector<16xf32>)
        scf.yield %parallel_loop3A_125, %parallel_loop3A_165, %parallel_loop3A_205, %parallel_loop3A_245, %parallel_loop3A_231, %parallel_loop3A_232 : vector<16xf32>, vector<16xf32>, vector<16xf32>, vector<16xf32>, vector<16xf32>, vector<16xi32>
      } {sc.loop_unroll_factor = 4 : i64, sc.parallel_access}
      %reduce_max3A = arith.constant true
      %reduce_max3A_35 = vector.broadcast %reduce_max3A : i1 to vector<16xi1>
      %reduce_max3A_36 = tpu.scan <max>, %parallel_loop3A_34#4 masked %reduce_max3A_35 : vector<16xf32>, vector<16xi1> -> vector<16xf32>
      %reduce_max3A_37 = vector.extract %reduce_max3A_36[15] : f32 from vector<16xf32>
      %eq3A = vector.broadcast %reduce_max3A_37 : f32 to vector<16xf32>
      %eq3A_38 = arith.cmpf oeq, %parallel_loop3A_34#4, %eq3A : vector<16xf32>
      %jit3A = arith.constant 2048 : i32
      %broadcast_in_dim3A_39 = vector.broadcast %jit3A : i32 to vector<16xi32>
      %select_n3A = arith.select %eq3A_38, %parallel_loop3A_34#5, %broadcast_in_dim3A_39 : vector<16xi1>, vector<16xi32>
      %reduce_min3A = arith.constant true
      %reduce_min3A_40 = vector.broadcast %reduce_min3A : i1 to vector<16xi1>
      %reduce_min3A_41 = arith.constant -2147483648 : i32
      %reduce_min3A_42 = vector.broadcast %reduce_min3A_41 : i32 to vector<16xi32>
      %reduce_min3A_43 = arith.xori %select_n3A, %reduce_min3A_42 : vector<16xi32>
      %reduce_min3A_44 = tpu.scan <min>, %reduce_min3A_43 masked %reduce_min3A_40 : vector<16xi32>, vector<16xi1> -> vector<16xi32>
      %reduce_min3A_45 = arith.xori %reduce_min3A_44, %reduce_min3A_42 : vector<16xi32>
      %reduce_min3A_46 = vector.extract %reduce_min3A_45[15] : i32 from vector<16xi32>
      %rev3A = arith.constant 15 : i32
      %rev3A_47 = vector.broadcast %rev3A : i32 to vector<16xi32>
      %rev3A_48 = tpu.iota {dimensions = array<i32: 0>} : vector<16xi32>
      %rev3A_49 = arith.subi %rev3A_47, %rev3A_48 : vector<16xi32>
      %rev3A_50 = tpu.dynamic_gather %parallel_loop3A_34#1[%rev3A_49] in [0] : vector<16xf32>, vector<16xi32> -> vector<16xf32>
      %min3A = arith.minimumf %parallel_loop3A_34#0, %rev3A_50 : vector<16xf32>
      %sort3A = arith.constant dense<true> : vector<16xi1>
      %sort3A_51, %sort3A_52, %sort3A_53 = tpu.sort %min3A, %min3A masked %sort3A : (vector<16xf32>, vector<16xf32>, vector<16xi1>) -> (vector<16xi1>, vector<16xf32>, vector<16xf32>)
      %rev3A_54 = arith.constant 15 : i32
      %rev3A_55 = vector.broadcast %rev3A_54 : i32 to vector<16xi32>
      %rev3A_56 = tpu.iota {dimensions = array<i32: 0>} : vector<16xi32>
      %rev3A_57 = arith.subi %rev3A_55, %rev3A_56 : vector<16xi32>
      %rev3A_58 = tpu.dynamic_gather %parallel_loop3A_34#3[%rev3A_57] in [0] : vector<16xf32>, vector<16xi32> -> vector<16xf32>
      %min3A_59 = arith.minimumf %parallel_loop3A_34#2, %rev3A_58 : vector<16xf32>
      %sort3A_60 = arith.constant dense<true> : vector<16xi1>
      %sort3A_61, %sort3A_62, %sort3A_63 = tpu.sort %min3A_59, %min3A_59 masked %sort3A_60 : (vector<16xf32>, vector<16xf32>, vector<16xi1>) -> (vector<16xi1>, vector<16xf32>, vector<16xf32>)
      %rev3A_64 = arith.constant 15 : i32
      %rev3A_65 = vector.broadcast %rev3A_64 : i32 to vector<16xi32>
      %rev3A_66 = tpu.iota {dimensions = array<i32: 0>} : vector<16xi32>
      %rev3A_67 = arith.subi %rev3A_65, %rev3A_66 : vector<16xi32>
      %rev3A_68 = tpu.dynamic_gather %sort3A_62[%rev3A_67] in [0] : vector<16xf32>, vector<16xi32> -> vector<16xf32>
      %min3A_69 = arith.minimumf %sort3A_52, %rev3A_68 : vector<16xf32>
      %sort3A_70 = arith.constant dense<true> : vector<16xi1>
      %sort3A_71, %sort3A_72, %sort3A_73 = tpu.sort %min3A_69, %min3A_69 masked %sort3A_70 : (vector<16xf32>, vector<16xf32>, vector<16xi1>) -> (vector<16xi1>, vector<16xf32>, vector<16xf32>)
      %mul3A_74 = arith.constant 16 : i32
      %mul3A_75 = arith.muli %scan3A_23, %mul3A_74 : i32
      %swap3A = arith.index_cast %mul3A_75 : i32 to index
      %swap3A_76 = tpu.vector_load %arg8[%swap3A] {strides = array<i32>} : memref<320xf32, #tpu.memory_space<vmem>>, vector<16xf32>,
      tpu.vector_store %arg8[%swap3A], %sort3A_72 {strides = array<i32>} : memref<320xf32, #tpu.memory_space<vmem>>, vector<16xf32>,
      %broadcast_in_dim3A_77 = vector.broadcast %reduce_min3A_46 : i32 to vector<16xi32>
      %gather3A = tpu.vector_load_idx %arg4[%broadcast_in_dim3A_77] : memref<2048xf32, #tpu.memory_space<vmem>>[vector<16xi32>], vector<16xf32>,
      %gather3A_78 = tpu.vector_load_idx %arg5[%broadcast_in_dim3A_77] : memref<2048xf32, #tpu.memory_space<vmem>>[vector<16xi32>], vector<16xf32>,
      %gather3A_79 = tpu.vector_load_idx %arg6[%broadcast_in_dim3A_77] : memref<2048xf32, #tpu.memory_space<vmem>>[vector<16xi32>], vector<16xf32>,
      scf.yield %gather3A, %gather3A_78, %gather3A_79 : vector<16xf32>, vector<16xf32>, vector<16xf32>
    }
    %scan3A_22 = arith.constant 20 : i32
    "tpu.region"() ({
      %run_scoped3A_23 = tpu.sem_alloc : memref<!tpu.dma_semaphore, #tpu.memory_space<semaphore_mem>>
      %dma_start3A = arith.constant 0 : i32
      %dma_start3A_24 = tpu.memref_slice %arg3[%add3A, %dma_start3A] : memref<32x320xf32, #tpu.memory_space<hbm>> -> memref<1x320xf32, #tpu.memory_space<hbm>>
      %dma_start3A_25 = tpu.memref_squeeze %dma_start3A_24 : memref<1x320xf32, #tpu.memory_space<hbm>> -> memref<320xf32, #tpu.memory_space<hbm>>
      %dma_start3A_26 = arith.constant 0 : i32
      %dma_start3A_27 = tpu.memref_slice %arg3[%add3A, %dma_start3A_26] : memref<32x320xf32, #tpu.memory_space<hbm>> -> memref<1x320xf32, #tpu.memory_space<hbm>>
      %dma_start3A_28 = tpu.memref_squeeze %dma_start3A_27 : memref<1x320xf32, #tpu.memory_space<hbm>> -> memref<320xf32, #tpu.memory_space<hbm>>
      tpu.enqueue_dma source(%arg8 : memref<320xf32, #tpu.memory_space<vmem>>) target(%dma_start3A_28 : memref<320xf32, #tpu.memory_space<hbm>>) target_semaphore(%run_scoped3A_23 : memref<!tpu.dma_semaphore, #tpu.memory_space<semaphore_mem>>)
      %dma_wait3A = arith.constant 0 : i32
      %dma_wait3A_29 = tpu.memref_slice %arg3[%add3A, %dma_wait3A] : memref<32x320xf32, #tpu.memory_space<hbm>> -> memref<1x320xf32, #tpu.memory_space<hbm>>
      %dma_wait3A_30 = tpu.memref_squeeze %dma_wait3A_29 : memref<1x320xf32, #tpu.memory_space<hbm>> -> memref<320xf32, #tpu.memory_space<hbm>>
      %dma_wait3A_31 = arith.constant 0 : i32
      %dma_wait3A_32 = tpu.memref_slice %arg3[%add3A, %dma_wait3A_31] : memref<32x320xf32, #tpu.memory_space<hbm>> -> memref<1x320xf32, #tpu.memory_space<hbm>>
      %dma_wait3A_33 = tpu.memref_squeeze %dma_wait3A_32 : memref<1x320xf32, #tpu.memory_space<hbm>> -> memref<320xf32, #tpu.memory_space<hbm>>
      tpu.wait_dma2 semaphore(%run_scoped3A_23 : memref<!tpu.dma_semaphore, #tpu.memory_space<semaphore_mem>>) src(%arg8 : memref<320xf32, #tpu.memory_space<vmem>>) dst(%dma_wait3A_33 : memref<320xf32, #tpu.memory_space<hbm>>)
      tpu.yield
    }) : () -> ()
    return
  }
}

module attributes {stable_mosaic.version = 14 : i64} {
  func.func @_stats_body(%arg0: memref<640x16xf32, #tpu.memory_space<vmem>>, %arg1: memref<1x1xf32, #tpu.memory_space<vmem>>) attributes {dimension_semantics = [], scalar_prefetch = 0 : i64, scratch_operands = 0 : i64, tpu.core_type = #tpu.core_type<tc>} {
    %get3A = arith.constant 0 : index
    %get3A_0 = arith.constant 0 : index
    %get3A_1 = vector.load %arg0[%get3A, %get3A_0] : memref<640x16xf32, #tpu.memory_space<vmem>>, vector<640x16xf32>
    %max3A = arith.constant 9.99999996E-13 : f32
    %max3A_2 = vector.broadcast %max3A : f32 to vector<640x16xf32>
    %max3A_3 = arith.maximumf %get3A_1, %max3A_2 : vector<640x16xf32>
    %sqrt3A = math.sqrt %max3A_3 : vector<640x16xf32>
    %iota3A = tpu.iota {dimensions = array<i32: 1>} : vector<640x16xi32>
    %lt3A = arith.constant 11 : i32
    %lt3A_4 = vector.broadcast %lt3A : i32 to vector<640x16xi32>
    %lt3A_5 = arith.cmpi slt, %iota3A, %lt3A_4 : vector<640x16xi32>
    %jit3A = arith.constant 0.000000e+00 : f32
    %broadcast_in_dim3A = vector.broadcast %jit3A : f32 to vector<640x16xf32>
    %select_n3A = arith.select %lt3A_5, %sqrt3A, %broadcast_in_dim3A : vector<640x16xi1>, vector<640x16xf32>
    %reduce_sum3A = arith.constant dense<0.000000e+00> : vector<640xf32>
    %reduce_sum3A_6 = vector.multi_reduction <add>, %select_n3A, %reduce_sum3A [1] : vector<640x16xf32> to vector<640xf32>
    %broadcast_in_dim3A_7 = vector.shape_cast %reduce_sum3A_6 : vector<640xf32> to vector<640x1xf32>
    %eq3A = arith.constant 0 : i32
    %eq3A_8 = vector.broadcast %eq3A : i32 to vector<640x16xi32>
    %eq3A_9 = arith.cmpi eq, %iota3A, %eq3A_8 : vector<640x16xi32>
    %jit3A_10 = arith.constant 0.000000e+00 : f32
    %broadcast_in_dim3A_11 = vector.broadcast %jit3A_10 : f32 to vector<640x16xf32>
    %select_n3A_12 = arith.select %eq3A_9, %sqrt3A, %broadcast_in_dim3A_11 : vector<640x16xi1>, vector<640x16xf32>
    %reduce_sum3A_13 = arith.constant dense<0.000000e+00> : vector<640xf32>
    %reduce_sum3A_14 = vector.multi_reduction <add>, %select_n3A_12, %reduce_sum3A_13 [1] : vector<640x16xf32> to vector<640xf32>
    %broadcast_in_dim3A_15 = vector.shape_cast %reduce_sum3A_14 : vector<640xf32> to vector<640x1xf32>
    %reduce_sum3A_16 = vector.shape_cast %broadcast_in_dim3A_7 : vector<640x1xf32> to vector<1x640x1xf32>
    %reduce_sum3A_17 = arith.constant dense<0.000000e+00> : vector<1xf32>
    %reduce_sum3A_18 = vector.multi_reduction <add>, %reduce_sum3A_16, %reduce_sum3A_17 [1, 2] : vector<1x640x1xf32> to vector<1xf32>
    %reduce_sum3A_19 = vector.shape_cast %reduce_sum3A_18 : vector<1xf32> to vector<1x1x1xf32>
    %reduce_sum3A_20 = vector.extract %reduce_sum3A_19[0, 0, 0] : f32 from vector<1x1x1xf32>
    %reduce_sum3A_21 = vector.shape_cast %broadcast_in_dim3A_15 : vector<640x1xf32> to vector<1x640x1xf32>
    %reduce_sum3A_22 = arith.constant dense<0.000000e+00> : vector<1xf32>
    %reduce_sum3A_23 = vector.multi_reduction <add>, %reduce_sum3A_21, %reduce_sum3A_22 [1, 2] : vector<1x640x1xf32> to vector<1xf32>
    %reduce_sum3A_24 = vector.shape_cast %reduce_sum3A_23 : vector<1xf32> to vector<1x1x1xf32>
    %reduce_sum3A_25 = vector.extract %reduce_sum3A_24[0, 0, 0] : f32 from vector<1x1x1xf32>
    %sub3A = arith.subf %reduce_sum3A_20, %reduce_sum3A_25 : f32
    %div3A = arith.constant 6.400000e+03 : f32
    %div3A_26 = arith.divf %sub3A, %div3A : f32
    %div3A_27 = arith.constant 1.100000e+01 : f32
    %div3A_28 = vector.broadcast %div3A_27 : f32 to vector<640x1xf32>
    %div3A_29 = arith.divf %broadcast_in_dim3A_7, %div3A_28 : vector<640x1xf32>
    %reduce_sum3A_30 = vector.shape_cast %div3A_29 : vector<640x1xf32> to vector<1x640x1xf32>
    %reduce_sum3A_31 = arith.constant dense<0.000000e+00> : vector<1xf32>
    %reduce_sum3A_32 = vector.multi_reduction <add>, %reduce_sum3A_30, %reduce_sum3A_31 [1, 2] : vector<1x640x1xf32> to vector<1xf32>
    %reduce_sum3A_33 = vector.shape_cast %reduce_sum3A_32 : vector<1xf32> to vector<1x1x1xf32>
    %reduce_sum3A_34 = vector.extract %reduce_sum3A_33[0, 0, 0] : f32 from vector<1x1x1xf32>
    %div3A_35 = arith.constant 6.400000e+02 : f32
    %div3A_36 = arith.divf %reduce_sum3A_34, %div3A_35 : f32
    %sub3A_37 = vector.broadcast %div3A_36 : f32 to vector<640x1xf32>
    %sub3A_38 = arith.subf %div3A_29, %sub3A_37 : vector<640x1xf32>
    %integer_pow3A = arith.mulf %sub3A_38, %sub3A_38 : vector<640x1xf32>
    %reduce_sum3A_39 = vector.shape_cast %integer_pow3A : vector<640x1xf32> to vector<1x640x1xf32>
    %reduce_sum3A_40 = arith.constant dense<0.000000e+00> : vector<1xf32>
    %reduce_sum3A_41 = vector.multi_reduction <add>, %reduce_sum3A_39, %reduce_sum3A_40 [1, 2] : vector<1x640x1xf32> to vector<1xf32>
    %reduce_sum3A_42 = vector.shape_cast %reduce_sum3A_41 : vector<1xf32> to vector<1x1x1xf32>
    %reduce_sum3A_43 = vector.extract %reduce_sum3A_42[0, 0, 0] : f32 from vector<1x1x1xf32>
    %div3A_44 = arith.constant 6.390000e+02 : f32
    %div3A_45 = arith.divf %reduce_sum3A_43, %div3A_44 : f32
    %mul3A = arith.mulf %div3A_26, %div3A_26 : f32
    %div3A_46 = arith.divf %div3A_45, %mul3A : f32
    %reshape3A = vector.broadcast %div3A_46 : f32 to vector<1x1xf32>
    %swap3A = arith.constant 0 : index
    %swap3A_47 = arith.constant 0 : index
    %swap3A_48 = vector.load %arg1[%swap3A, %swap3A_47] : memref<1x1xf32, #tpu.memory_space<vmem>>, vector<1x1xf32>
    tpu.vector_store %arg1[%swap3A, %swap3A_47], %reshape3A {strides = array<i32>} : memref<1x1xf32, #tpu.memory_space<vmem>>, vector<1x1xf32>,
    return
  }
}

</mosaic_0001>

<sc_bundles>
// kernel: kernel.4.cloned.1.call-start
scs
__scs_entry_jumppad:
0x0: {  	(pc) =	sbr.rel $0x88, $3  }
0x1: {  	(tag) =	ssettag $0x0;
	lr =	simm.s32 $0x1  }
0x2: {  	[smem:$0x3FA0] =	sst lr;
	_ =	strace $0xD0000000  }
0x3: {  	_ = 	snop  }
0x4: {  	_ = 	snop  }
0x5: {  	_ = 	snop  }
0x6: {  	_ = 	snop  }
0x7: {  	_ = 	snop  }
__scs_overlays_trampoline_lowered:
0x8: {  	[smem:$0x3FAF] =	sst s0  }
0x9: {  	[smem:$0x3FB0] =	sst s1  }
0xa: {  	[smem:$0x3FB1] =	sst s2  }
0xb: {  	[smem:$0x3FB2] =	sst s3  }
0xc: {  	[smem:$0x3FB3] =	sst s4  }
0xd: {  	[smem:$0x3FB4] =	sst s5  }
0xe: {  	[smem:$0x3FB5] =	sst s6  }
0xf: {  	[smem:$0x3FB6] =	sst s7  }
0x10: {  	[smem:$0x3FB7] =	sst s8  }
0x11: {  	[smem:$0x3FB8] =	sst s9;
	s0 =	simm.s32 @!p0 $0x0  }
0x12: {  	s1 =	sld [smem:$0x3F9E];
	s0 =	simm.s32 @p0 $0x1  }
0x13: {  	[smem:$0x3FB9] =	sst s0;
	s0 =	simm.s32 @!p1 $0x0  }
0x14: {  	s2 =	sld [smem:$0x3F9D];
	s0 =	simm.s32 @p1 $0x1  }
0x15: {  	[smem:$0x3FBA] =	sst s0;
	s0 =	simm.s32 @!p2 $0x0  }
0x16: {  	s3 =	sld [smem:$0x3FDB];
	s0 =	simm.s32 @p2 $0x1  }
0x17: {  	s4 =	simm.s32 $0x1BF5;
	[smem:$0x3FBC] =	sst s0  }
0x18: {  	s0 =	sld [smem:$0x3F9F];
	_ =	swait.ge [sflag:s4], $0x0  }
0x19: {  	s7 =	sld [smem:$0x3FA0]  }
0x1a: {  	s8 =	sadd.s32 $0xFFFFE003, lr  }
0x1b: {  	s9 =	sadd.s32 $0xFFFFFEF7, lr;
	s5 =	simm.s32 $0xFFFFFFFF;
	p2 =	slt.u32 s8, $0xFFFFF086  }
0x1c: {  	p1 =	slt.u32 s9, $0xF7A;
	s5 =	simm.s32 @!p2 $0x0  }
0x1d: {  	s5 =	simm.s32 @p1 $0x1;
	p0 =	seq.s32 s7, s2  }
0x1e: {  	s7 =	smul.u32 @!p0 $0xF7A, s2;
	p2 =	seq.s32 @!p0 s5, $0x0  }
0x1f: {  	s9 =	smul.u32 $0xF7A, s1;
	s8 =	simm.s32 @!p0 $0x1BF5;
	p2 =	por !p2, p0  }
0x20: {  	[sflag:s8] =	ssyncset.s32 @!p0 $0xFFFFF086;
	s6 =	sadd.s32 @!p0 s3, s7;
	s7 =	simm.s32 @!p0 $0x108  }
0x21: {  	s3 =	sadd.s32 s3, s9;
	s6 =	sadd.s32 @!p0 $0x88, s6;
	s7 =	simm.s32 @p2 $0x1082  }
0x22: {  	[simem:s7], [sflag:s8] =	dma.local @!p0 [hbm:s6], $0xF7A  }
0x23: {  	s9 =	sor.u32 $0xD0000000, s2;
	s6 =	simm.s32 $0x108;
	_ =	swait.ge @!p0 [sflag:s8], $0x0  }
0x24: {  	s3 =	sadd.s32 $0x88, s3;
	s6 =	simm.s32 @!p1 $0x1082;
	[sflag:s4] =	ssyncset.s32 $0xFFFFF086  }
0x25: {  	[simem:s6], [sflag:s4] =	dma.local [hbm:s3], $0xF7A  }
0x26: {  	[smem:$0x3FA0] =	sst s1;
	(tag) =	ssettag s2;
	_ =	strace s9  }
0x27: {  	s1 =	sld [smem:$0x3FB0]  }
0x28: {  	s2 =	sld [smem:$0x3FB1]  }
0x29: {  	s4 =	sld [smem:$0x3FB3]  }
0x2a: {  	p0 =	seq.s32 s5, $0x0;
	s5 =	sld [smem:$0x3FB4]  }
0x2b: {  	s6 =	sld [smem:$0x3FB5]  }
0x2c: {  	s7 =	sld [smem:$0x3FB6]  }
0x2d: {  	s3 =	simm.s32 $0x108;
	s8 =	sld [smem:$0x3FB7]  }
0x2e: {  	s3 =	simm.s32 @!p0 $0x1082;
	s9 =	sld [smem:$0x3FB8]  }
0x2f: {  	lr =	sadd.s32 s0, s3;
	s0 =	sld [smem:$0x3FAF]  }
0x30: {  	s3 =	sld [smem:$0x3FB2]  }
0x31: {  	[smem:$0x3FBB] =	sst s10  }
0x32: {  	s10 =	sld [smem:$0x3FB9];
	_ =	sdelay $0x3  }
0x33: {  	p0 =	seq.s32 s10, $0x1;
	s10 =	sld [smem:$0x3FBB];
	_ =	sdelay $0x3  }
0x34: {  	[smem:$0x3FBB] =	sst s10  }
0x35: {  	s10 =	sld [smem:$0x3FBA];
	_ =	sdelay $0x3  }
0x36: {  	p1 =	seq.s32 s10, $0x1;
	s10 =	sld [smem:$0x3FBB];
	_ =	sdelay $0x3  }
0x37: {  	[smem:$0x3FBB] =	sst s10  }
0x38: {  	s10 =	sld [smem:$0x3FBC]  }
0x39: {  	_ = 	snop;
	(pc) =	sbr.ind lr, $3  }
0x3a: {  	_ = 	snop  }
0x3b: {  	_ = 	snop  }
0x3c: {  	p2 =	seq.s32 s10, $0x1;
	s10 =	sld [smem:$0x3FBB]  }
0x3d: {  	_ =	shalt  }
0x3e: {  	_ =	shalt  }
0x3f: {  	_ =	shalt  }
0x40: {  	_ =	shalt  }
0x41: {  	_ =	shalt  }
0x42: {  	_ =	shalt  }
0x43: {  	_ =	shalt  }
0x44: {  	_ =	shalt  }
0x45: {  	_ =	shalt  }
0x46: {  	_ =	shalt  }
0x47: {  	_ =	shalt  }
0x48: {  	_ =	shalt  }
0x49: {  	_ =	shalt  }
0x4a: {  	_ =	shalt  }
0x4b: {  	_ =	shalt  }
0x4c: {  	_ =	shalt  }
0x4d: {  	_ =	shalt  }
0x4e: {  	_ =	shalt  }
0x4f: {  	_ =	shalt  }
0x50: {  	_ =	shalt  }
0x51: {  	_ =	shalt  }
0x52: {  	_ =	shalt  }
0x53: {  	_ =	shalt  }
0x54: {  	_ =	shalt  }
0x55: {  	_ =	shalt  }
0x56: {  	_ =	shalt  }
0x57: {  	_ =	shalt  }
0x58: {  	_ =	shalt  }
0x59: {  	_ =	shalt  }
0x5a: {  	_ =	shalt  }
0x5b: {  	_ =	shalt  }
0x5c: {  	_ =	shalt  }
0x5d: {  	_ =	shalt  }
0x5e: {  	_ =	shalt  }
0x5f: {  	_ =	shalt  }
0x60: {  	_ =	shalt  }
0x61: {  	_ =	shalt  }
0x62: {  	_ =	shalt  }
0x63: {  	_ =	shalt  }
0x64: {  	_ =	shalt  }
0x65: {  	_ =	shalt  }
0x66: {  	_ =	shalt  }
0x67: {  	_ =	shalt  }
0x68: {  	_ =	shalt  }
0x69: {  	_ =	shalt  }
0x6a: {  	_ =	shalt  }
0x6b: {  	_ =	shalt  }
0x6c: {  	_ =	shalt  }
0x6d: {  	_ =	shalt  }
0x6e: {  	_ =	shalt  }
0x6f: {  	_ =	shalt  }
0x70: {  	_ =	shalt  }
0x71: {  	_ =	shalt  }
0x72: {  	_ =	shalt  }
0x73: {  	_ =	shalt  }
0x74: {  	_ =	shalt  }
0x75: {  	_ =	shalt  }
0x76: {  	_ =	shalt  }
0x77: {  	_ =	shalt  }
0x78: {  	_ =	shalt  }
0x79: {  	_ =	shalt  }
0x7a: {  	_ =	shalt  }
0x7b: {  	_ =	shalt  }
0x7c: {  	_ =	shalt  }
0x7d: {  	_ =	shalt  }
0x7e: {  	_ =	shalt  }
0x7f: {  	_ =	shalt  }
0x80: {  	_ =	shalt  }
0x81: {  	_ =	shalt  }
0x82: {  	_ =	shalt  }
0x83: {  	_ =	shalt  }
0x84: {  	_ =	shalt  }
0x85: {  	_ =	shalt  }
0x86: {  	_ =	shalt  }
0x87: {  	_ =	shalt  }
.Lfunc_end0:
.L_simem_size_0:
called_computation_lowered:
.L_overlay_start_0:
0x88: {  	s2 =	sld [smem:$0x3FD9]  }
0x89: {  	s3 =	sld [smem:$0x3FFE];
	_ =	sdelay $0x1  }
0x8a: {  	s1 =	srdreg.scid  }
0x8b: {  	s0 =	sand.u32 $0x1, s1  }
0x8c: {  	s17 =	sshll.u32 s0, $0xA;
	s2 =	sadd.s32 s3, s2  }
0x8d: {  	s2 =	sadd.s32 s2, s17  }
0x8e: {  	[smem:$0x3FC7] =	sst s2  }
0x8f: {  	_ = 	snop  }
0x90: {  	s2 =	sld [smem:$0x3FC9];
	(tm) =	ssettm $0x1  }
0x91: {  	s18 =	sld [smem:$0x3FFB];
	_ =	sdelay $0x3  }
0x92: {  	_ =	strace s18  }
0x93: {  	s3 =	sld [smem:$0x3FFC];
	_ =	sdelay $0x3  }
0x94: {  	_ =	strace s3  }
0x95: {  	s3 =	sld [smem:$0x3FFD];
	_ =	sdelay $0x3  }
0x96: {  	_ =	strace s3  }
0x97: {  	_ =	strace $0x8FFFFFFF  }
0x98: {  	s19 =	sld [smem:$0x3FDB];
	_ =	sdelay $0x1  }
0x99: {  	s4 =	simm.s32 $_scs_section_size  }
0x9a: {  	s5 =	simm.s32 $_size__tile_overlayer_lowered;
	s6 =	simm.s32 $_tile_overlayer_lowered  }
0x9b: {  	s22 =	simm.s32 $0x1BFF;
	s21 =	sshll.u32 s6, $0x1;
	s3 =	sadd.s32 s4, s19  }
0x9c: {  	s7 =	simm.s32 $0x0;
	s20 =	sshll.u32 s5, $0x1;
	s5 =	sadd.s32 s21, s3  }
0x9d: {  	[timem:s7], [sflag:s22] =	dma.local [hbm:s5], s20  }
0x9e: {  	_ =	swait.ge [sflag:s22], s20  }
0x9f: {  	s4 =	ssub.s32 $0x0, s20;
	[sflag:s22] =	ssyncset.done $0x0  }
0xa0: {  	[sflag:s22] =	ssyncadd.s32 s4;
	_ =	sdelay $0x1  }
0xa1: {  	s23 =	simm.s32 $0x1B8B  }
0xa2: {  	_ =	swait.ge [sflag:s23], $0x1  }
0xa3: {  	[sflag:s23] =	ssyncset.done $0x0  }
0xa4: {  	s25 =	simm.s32 $0x1B8E;
	s24 =	sld [smem:$0x3FFE];
	[sflag:s23] =	ssyncadd.s32 $0xFFFFFFFF  }
0xa5: {  	s26 =	simm.s32 $execute0_lowered;
	[smem:$0x3FD2] =	sst s25  }
0xa6: {  	s5 =	sshll.u32 s26, $0x1;
	_ =	strace $0x80000046;
	[dreg:$0x1] =	wrdreg $0xFFFFFFFF  }
0xa7: {  	s28 =	simm.s32 $_size_execute0_lowered;
	s3 =	sadd.s32 s3, s5;
	[dreg:$0x0] =	wrdreg $0x0  }
0xa8: {  	s5 =	sshll.u32 s28, $0x1;
	[dreg:$0x2] =	wrdreg s3  }
0xa9: {  	[dreg:$0x3] =	wrdreg s5  }
0xaa: {  	[dreg:$0x4] =	wrdreg $0xC0  }
0xab: {  	_ =	task [dreg:s7], $0x5FFFF  }
0xac: {  	[dreg:$0x1] =	wrdreg $0xFFFFFFFF  }
0xad: {  	[dreg:$0x0] =	wrdreg $0x60  }
0xae: {  	[dreg:$0x2] =	wrdreg s2  }
0xaf: {  	[dreg:$0x3] =	wrdreg s24  }
0xb0: {  	[dreg:$0x4] =	wrdreg $0x9  }
0xb1: {  	_ =	task.clear_ibuf [dreg:s7], $0x5FFFF;
	_ =	strace $0x90000046  }
0xb2: {  	s29 =	simm.s32 $0x9;
	_ =	strace $0x80000048  }
0xb3: {  	_ =	swait.ge [sflag:s29], $0x1  }
0xb4: {  	[sflag:s29] =	ssyncadd.s32 $0xFFFFFFFF  }
0xb5: {  	_ =	strace $0x90000048  }
0xb6: {  	_ =	sfence  }
0xb7: {  	s30 =	sld [smem:$0x0];
	_ =	sdelay $0x2  }
0xb8: {  	s31 =	sshll.u32 s1, $0xD;
	s1 =	sshrl.u32 s1, $0x2  }
0xb9: {  	s3 =	sand.u32 $0x4000, s31;
	s1 =	sadd.s32 s1, s30  }
0xba: {  	s0 =	sor.u32 s3, s0;
	s1 =	sshll.u32 s1, $0x11  }
0xbb: {  	s0 =	sor.u32 s1, s0  }
0xbc: {  	s0 =	sadd.s32 $0x8F2B, s0  }
0xbd: {  	[sflag:s0] =	ssyncadd.remote.s32 $0x1  }
0xbe: {  	_ =	sfence.sel $0xFFFF  }
0xbf: {  	[dreg:$0x0] =	wrdreg $0xFFFFFFFF;
	(pc) =	sbr.abs _section_cstart, $3  }
0xc0: {  	[dreg:$0x1] =	wrdreg $0xFFFFFFFF  }
0xc1: {  	_ =	task.clear_ibuf [dreg:s7], $0x2FFFF;
	_ =	strace $0x9FFFFFFF  }
0xc2: {  	(tm) =	ssettm $0x7FFFFFFF  }
0xc3: {  	_ =	shalt  }
tec
execute0_lowered:
.L_overlay_start_1:
0x0: {  	(tag) =	ssettag $0x1  }
0x1: {  	s3 =	rddreg [dreg:$0x0]  }
0x2: {  	s4 =	rddreg [dreg:$0x1]  }
0x3: {  	s0 =	rddreg [dreg:$0x2]  }
0x4: {  	s2 =	simm.s32 $0x0;
	s5 =	srdreg.scid;
	s1 =	stileid.u32  }
0x5: {  	s10 =	simm.s32 $0x1;
	s11 =	simm.s32 $0x800;
	s12 =	simm.s32 $0x1000  }
0x6: {  	s13 =	simm.s32 $0x2000;
	s14 =	simm.s32 $0x0;
	s5 =	sand.u32 $0x1, s5  }
0x7: {  	s6 =	sshrl.u32 s1, $0x2;
	s7 =	sshll.u32 s1, $0x8;
	[smem:$0x7FF] =	sst s2  }
0x8: {  	s8 =	sshll.u32 s5, $0x7;
	s7 =	sand.u32 $0x300, s7;
	s9 =	smul.u32 $0xC00, s6  }
0x9: {  	s6 =	sshll.u32 s6, $0xE;
	s5 =	ssub.s32 $0x2, s5;
	s7 =	sor.u32 s8, s7  }
0xa: {  	_ =	strace $0x80000047;
	s30 =	sshrl.u32 s5, $0x1;
	s6 =	sor.u32 s6, s7  }
0xb: {  	v0 =	vlaneseq.u32;
	s8 =	sor.u32 s9, s7;
	s31 =	ssub.s32 s5, s30;
	s6 =	sshrl.u32 s6, $0x3  }
0xc: {  	v2 =	vmul.u32 $0xFFFFFFFF, v0;
	s9 =	simm.s32 $0x400;
	s29 =	sshrl.u32 s8, $0x3;
	s3 =	sadd.s32 s3, s6  }
0xd: {  	s8 =	simm.s32 $0x80;
	s7 =	sadd.s32 s29, s4;
	s4 =	sadd.s32 $0x2000, s3  }
0xe: {  	v1 =	vimm.f32 $1.000000000e+10;
	v2 =	vadd.s32 $0xF, v2;
	s5 =	sadd.s32 $0x4000, s3;
	s6 =	sadd.s32 $0x400, s7;
	s7 =	smax.u32 s31, $0x1  }
.LBB2_1:
0xf: {  	[tilespmem:s2], [sflag:$0x1] =	stream.strided.gather [hbm4b:s3+s8], $0x800, s9, s8, $0x38;
	[tilespmem:$0x2180] =	vst v63  }
0x10: {  	_ =	swait.ge [sflag:s10], $0x800  }
0x11: {  	[sflag:s10] =	ssyncset.done $0x0  }
0x12: {  	[sflag:s10] =	ssyncadd.s32 $0xFFFFF800  }
0x13: {  	[tilespmem:s11], [sflag:$0x1] =	stream.strided.gather [hbm4b:s4+s8], $0x800, s9, s8, $0x38;
	[tilespmem:$0x2180] =	vst v63  }
0x14: {  	_ =	swait.ge [sflag:s10], $0x800  }
0x15: {  	[sflag:s10] =	ssyncset.done $0x0  }
0x16: {  	[sflag:s10] =	ssyncadd.s32 $0xFFFFF800  }
0x17: {  	[tilespmem:s12], [sflag:$0x1] =	stream.strided.gather [hbm4b:s5+s8], $0x800, s9, s8, $0x38;
	[tilespmem:$0x2180] =	vst v63  }
0x18: {  	_ =	swait.ge [sflag:s10], $0x800  }
0x19: {  	[sflag:s10] =	ssyncset.done $0x0  }
0x1a: {  	s15 =	simm.s32 $0x1840;
	[sflag:s10] =	ssyncadd.s32 $0xFFFFF800  }
0x1b: {  	[tilespmem:s15+$0xFFFFFFC0] =	vst v1  }
0x1c: {  	[tilespmem:s15+$0x30] =	vst v1  }
0x1d: {  	[tilespmem:s15+$0x20] =	vst v1  }
0x1e: {  	[tilespmem:s15+$0x10] =	vst v1  }
0x1f: {  	[tilespmem:s15+$0x0] =	vst v1  }
0x20: {  	[tilespmem:s15+$0xFFFFFFF0] =	vst v1  }
0x21: {  	s16 =	simm.s32 $0x0;
	[tilespmem:s15+$0xFFFFFFE0] =	vst v1  }
.LBB2_2:
0x22: {  	s16 =	sadd.s32 $0x80, s16;
	[tilespmem:s15+$0xFFFFFFD0] =	vst v1;
	s15 =	sadd.s32 $0x80, s15  }
0x23: {  	[tilespmem:s15+$0xFFFFFFC0] =	vst v1;
	p0 =	slt.u32 s16, $0x780  }
0x24: {  	[tilespmem:s15+$0x30] =	vst v1  }
.Ltmp0:
0x25: {  	[tilespmem:s15+$0x20] =	vst v1;
	(pc) =	sbr.rel @p0 .LBB2_2-.Ltmp0, $4  }
0x26: {  	[tilespmem:s15+$0x10] =	vst v1  }
0x27: {  	[tilespmem:s15+$0x0] =	vst v1  }
0x28: {  	[tilespmem:s15+$0xFFFFFFF0] =	vst v1  }
0x29: {  	[tilespmem:s15+$0xFFFFFFE0] =	vst v1  }
0x2a: {  	[tilespmem:s15+$0xFFFFFFD0] =	vst v1  }
0x2b: {  	v4 =	vld.msk [tilespmem:$0x0 ss:$0x0], $0xffff  }
0x2c: {  	v5 =	vld.msk [tilespmem:$0x800 ss:$0x0], $0xffff  }
0x2d: {  	s15 =	simm.s32 $0x0;
	s16 =	simm.s32 $0x0;
	v3 =	vld.msk [tilespmem:$0x1000 ss:$0x0], $0xffff  }
.LBB2_4:
0x2e: {  	s22 =	simm.s32 $0x80  }
0x2f: {  	s24 =	simm.s32 $0x880;
	v6 =	vld [tilespmem:s22+$0xFFFFFF80]  }
0x30: {  	v7 =	vld [tilespmem:s24+$0xFFFFFF80]  }
0x31: {  	s23 =	simm.s32 $0x1080  }
0x32: {  	v8 =	vld [tilespmem:s23+$0xFFFFFF80];
	_ =	sdelay $0x2  }
0x33: {  	v6 =	vsub.f32 v6, v4;
	v7 =	vsub.f32 v7, v5;
	_ =	sdelay $0x1  }
0x34: {  	s17 =	simm.s32 $0x1880;
	v8 =	vsub.f32 v8, v3;
	v6 =	vmul.f32 v6, v6;
	v7 =	vmul.f32 v7, v7  }
0x35: {  	v9 =	vld [tilespmem:s17+$0xFFFFFF80]  }
0x36: {  	v8 =	vmul.f32 v8, v8;
	v6 =	vadd.f32 v7, v6  }
0x37: {  	v11 =	vld [tilespmem:s24+$0xFFFFFFC0]  }
0x38: {  	v7 =	vld [tilespmem:s22+$0xFFFFFFC0];
	v13 =	vadd.f32 v8, v6  }
0x39: {  	v15 =	vld [tilespmem:s17+$0xFFFFFFC0]  }
0x3a: {  	v16 =	vld [tilespmem:s23+$0x0];
	v10 =	vmin.f32 v9, v13  }
0x3b: {  	v6 =	vld [tilespmem:s23+$0xFFFFFFC0];
	[tilespmem:s17+$0xFFFFFF80] =	vst v10  }
0x3c: {  	v8 =	vld [tilespmem:s22+$0xFFFFFF90]  }
0x3d: {  	v9 =	vsub.f32 v11, v5;
	v7 =	vsub.f32 v7, v4;
	v11 =	vld [tilespmem:s24+$0xFFFFFF90]  }
0x3e: {  	v17 =	vld [tilespmem:s17+$0xFFFFFF90]  }
0x3f: {  	v9 =	vmul.f32 v9, v9;
	v14 =	vld [tilespmem:s23+$0xFFFFFF90];
	v7 =	vmul.f32 v7, v7  }
0x40: {  	v18 =	vld [tilespmem:s22+$0x40]  }
0x41: {  	v25 =	vld [tilespmem:s17+$0x40];
	v6 =	vsub.f32 v6, v3;
	v7 =	vadd.f32 v9, v7  }
0x42: {  	v26 =	vld [tilespmem:s24+$0x40];
	v8 =	vsub.f32 v8, v4;
	v9 =	vsub.f32 v11, v5  }
0x43: {  	s19 =	simm.s32 $0x1180;
	v27 =	vld [tilespmem:s17+$0xFFFFFFA0];
	v6 =	vmul.f32 v6, v6  }
0x44: {  	s25 =	simm.s32 $0x180;
	v28 =	vld [tilespmem:s19+$0xFFFFFFC0];
	v14 =	vsub.f32 v14, v3;
	v8 =	vmul.f32 v8, v8;
	v9 =	vmul.f32 v9, v9  }
0x45: {  	v29 =	vld [tilespmem:s25+$0xFFFFFFC0];
	v12 =	vadd.f32 v6, v7  }
0x46: {  	v11 =	vld [tilespmem:s22+$0x0];
	v14 =	vmul.f32 v14, v14;
	v8 =	vadd.f32 v9, v8  }
0x47: {  	v6 =	vld [tilespmem:s24+$0x0];
	v7 =	vmin.f32 v15, v12  }
0x48: {  	v30 =	vld [tilespmem:s25+$0xFFFFFF80];
	[tilespmem:s17+$0xFFFFFFC0] =	vst v7;
	v21 =	vadd.f32 v14, v8  }
0x49: {  	v8 =	vld [tilespmem:s22+$0xFFFFFFD0]  }
0x4a: {  	v14 =	vld [tilespmem:s24+$0xFFFFFFD0];
	v9 =	vmin.f32 v17, v21  }
0x4b: {  	v20 =	vld [tilespmem:s23+$0xFFFFFFD0];
	[tilespmem:s17+$0xFFFFFF90] =	vst v9  }
0x4c: {  	v11 =	vsub.f32 v11, v4;
	v6 =	vsub.f32 v6, v5;
	v22 =	vld [tilespmem:s22+$0xFFFFFFA0]  }
0x4d: {  	s20 =	simm.s32 $0x980;
	v23 =	vld [tilespmem:s24+$0xFFFFFFA0]  }
0x4e: {  	v32 =	vld [tilespmem:s20+$0xFFFFFF80];
	v16 =	vsub.f32 v16, v3;
	v11 =	vmul.f32 v11, v11;
	v6 =	vmul.f32 v6, v6  }
0x4f: {  	v24 =	vld [tilespmem:s23+$0xFFFFFFA0];
	v8 =	vsub.f32 v8, v4;
	v14 =	vsub.f32 v14, v5  }
0x50: {  	v16 =	vmul.f32 v16, v16;
	v17 =	vld [tilespmem:s17+$0x0];
	v6 =	vadd.f32 v6, v11  }
0x51: {  	v37 =	vld [tilespmem:s25+$0x0];
	v20 =	vsub.f32 v20, v3;
	v8 =	vmul.f32 v8, v8;
	v14 =	vmul.f32 v14, v14  }
0x52: {  	v15 =	vld [tilespmem:s23+$0x40];
	v22 =	vsub.f32 v22, v4;
	v23 =	vsub.f32 v23, v5  }
0x53: {  	v11 =	vld [tilespmem:s17+$0xFFFFFFD0];
	v19 =	vadd.f32 v16, v6;
	v8 =	vadd.f32 v14, v8;
	v14 =	vmul.f32 v20, v20  }
0x54: {  	v16 =	vld [tilespmem:s19+$0x0];
	v20 =	vsub.f32 v24, v3;
	v22 =	vmul.f32 v22, v22;
	v23 =	vmul.f32 v23, v23  }
0x55: {  	v18 =	vsub.f32 v18, v4;
	v6 =	vmin.f32 v17, v19;
	v17 =	vld [tilespmem:s20+$0xFFFFFFC0]  }
0x56: {  	[tilespmem:s17+$0x0] =	vst v6;
	v24 =	vld [tilespmem:s19+$0xFFFFFF80];
	v20 =	vmul.f32 v20, v20;
	v22 =	vadd.f32 v23, v22;
	v23 =	vadd.f32 v14, v8  }
0x57: {  	v26 =	vsub.f32 v26, v5;
	v28 =	vsub.f32 v28, v3;
	v31 =	vld [tilespmem:s24+$0x10]  }
0x58: {  	v32 =	vsub.f32 v32, v5;
	v8 =	vld [tilespmem:s22+$0x10];
	v20 =	vadd.f32 v20, v22;
	v14 =	vmin.f32 v11, v23  }
0x59: {  	v15 =	vsub.f32 v15, v3;
	v33 =	vsub.f32 v16, v3;
	v11 =	vld [tilespmem:s23+$0x10];
	[tilespmem:s17+$0xFFFFFFD0] =	vst v14  }
0x5a: {  	v16 =	vmul.f32 v18, v18;
	v22 =	vmul.f32 v26, v26;
	v18 =	vmin.f32 v27, v20;
	v27 =	vld [tilespmem:s22+$0xFFFFFFE0]  }
0x5b: {  	v37 =	vsub.f32 v37, v4;
	v26 =	vsub.f32 v29, v4;
	v29 =	vld [tilespmem:s24+$0xFFFFFFE0];
	[tilespmem:s17+$0xFFFFFFA0] =	vst v18  }
0x5c: {  	v15 =	vmul.f32 v15, v15;
	v31 =	vsub.f32 v31, v5;
	v16 =	vadd.f32 v22, v16;
	v34 =	vld [tilespmem:s22+$0xFFFFFFB0]  }
0x5d: {  	v28 =	vmul.f32 v28, v28;
	v35 =	vsub.f32 v24, v3;
	v8 =	vsub.f32 v8, v4;
	v24 =	vld [tilespmem:s24+$0xFFFFFFB0]  }
0x5e: {  	(xrf1) =	vsort.ascd.msk.f32 $0xffff, v13, v13;
	v31 =	vmul.f32 v31, v31;
	v22 =	vadd.f32 v15, v16;
	v16 =	vld [tilespmem:s23+$0xFFFFFFE0]  }
0x5f: {  	v36 =	vmul.f32 v26, v26;
	v15 =	vsub.f32 v30, v4;
	v26 =	vld [tilespmem:s23+$0xFFFFFFB0];
	v30 =	vmul.f32 v8, v8  }
0x60: {  	(xrf1) =	vsort.ascd.msk.f32 $0xffff, v21, v21;
	v17 =	vsub.f32 v17, v5;
	v11 =	vsub.f32 v11, v3  }
0x61: {  	v41 =	vld [tilespmem:s17+$0xFFFFFFE0];
	v8 =	vmin.f32 v25, v22;
	v25 =	vadd.f32 v31, v30;
	v27 =	vsub.f32 v27, v4  }
0x62: {  	v17 =	vmul.f32 v17, v17;
	v30 =	vld [tilespmem:s17+$0x10];
	[tilespmem:s17+$0x40] =	vst v8;
	v29 =	vsub.f32 v29, v5;
	v13 =	vsub.f32 v34, v4  }
0x63: {  	v11 =	vmul.f32 v11, v11;
	v31 =	vld [tilespmem:s22+$0x50];
	v24 =	vsub.f32 v24, v5;
	v16 =	vsub.f32 v16, v3  }
0x64: {  	v49 =	vld [tilespmem:s24+$0x50];
	v27 =	vmul.f32 v27, v27;
	v29 =	vmul.f32 v29, v29;
	v26 =	vsub.f32 v26, v3  }
0x65: {  	v39 =	vld [tilespmem:s23+$0x50];
	v13 =	vmul.f32 v13, v13;
	v38 =	vmul.f32 v24, v24;
	v24 =	vadd.f32 v11, v25  }
0x66: {  	s18 =	simm.s32 $0x1980;
	v21 =	vld [tilespmem:s20+$0x0];
	v17 =	vadd.f32 v17, v36;
	v40 =	vmul.f32 v16, v16;
	v25 =	vadd.f32 v29, v27  }
0x67: {  	v27 =	vld [tilespmem:s18+$0xFFFFFFC0];
	v11 =	vadd.f32 v38, v13;
	v13 =	vmul.f32 v26, v26;
	v16 =	vmin.f32 v30, v24  }
0x68: {  	(xrf1) =	vsort.ascd.msk.f32 $0xffff, v20, v20;
	v29 =	vsub.f32 v31, v4;
	v31 =	vld [tilespmem:s18+$0xFFFFFF80];
	v25 =	vadd.f32 v40, v25;
	[tilespmem:s17+$0x10] =	vst v16  }
0x69: {  	v15 =	vmul.f32 v15, v15;
	v30 =	vsub.f32 v49, v5;
	v26 =	vadd.f32 v13, v11;
	v50 =	vld [tilespmem:s23+$0x20]  }
0x6a: {  	v11 =	vmul.f32 v32, v32;
	v13 =	vsub.f32 v39, v3;
	v20 =	vmin.f32 v41, v25;
	v51 =	vld [tilespmem:s22+$0x20]  }
0x6b: {  	v29 =	vmul.f32 v29, v29;
	v30 =	vmul.f32 v30, v30;
	v52 =	vld [tilespmem:s24+$0x20];
	[tilespmem:s17+$0xFFFFFFE0] =	vst v20;
	(xrf1) =	vsort.ascd.msk.f32 $0xffff, v26, v26  }
0x6c: {  	v54 =	vsub.f32 v21, v5;
	v35 =	vmul.f32 v35, v35;
	v15 =	vadd.f32 v11, v15;
	v53 =	vld [tilespmem:s22+$0xFFFFFFF0]  }
0x6d: {  	v29 =	vadd.f32 v30, v29;
	v13 =	vmul.f32 v13, v13;
	v11 =	vadd.f32 v28, v17;
	v28 =	vld [tilespmem:s24+$0xFFFFFFF0]  }
0x6e: {  	v62 =	vmul.f32 v54, v54;
	v33 =	vmul.f32 v33, v33;
	v30 =	vld [tilespmem:s17+$0x50];
	(xrf1) =	vsort.ascd.msk.f32 $0xffff, v12, v12  }
0x6f: {  	v17 =	vadd.f32 v35, v15;
	v35 =	vadd.f32 v13, v29;
	v13 =	vmin.f32 v27, v11;
	v29 =	vld [tilespmem:s23+$0xFFFFFFF0]  }
0x70: {  	v59 =	vimm.f32 $+Inf;
	(xrf1) =	vsort.ascd.msk.f32 $0xffff, v23, v23;
	v12 =	vsub.f32 v50, v3;
	v55 =	vsub.f32 v51, v4  }
0x71: {  	v57 =	vld [tilespmem:s17+$0x20];
	v56 =	vsub.f32 v52, v5;
	[tilespmem:s18+$0xFFFFFFC0] =	vst v13;
	(xrf1) =	vsort.ascd.msk.f32 $0xffff, v25, v25;
	v15, _, _ =	vpop (xrf1);
	v21 =	vmin.f32 v31, v17  }
0x72: {  	v42 =	vld [tilespmem:s19+$0xFFFFFFD0];
	v31 =	vperm.xlane v15, v2;
	v38 =	vsub.f32 v53, v4;
	v12 =	vmul.f32 v12, v12  }
0x73: {  	v61 =	vld [tilespmem:s25+$0xFFFFFFD0];
	v28 =	vsub.f32 v28, v5;
	v32 =	vmul.f32 v55, v55;
	v34 =	vmul.f32 v56, v56  }
0x74: {  	v58 =	vld [tilespmem:s19+$0x40];
	v15 =	vmin.f32 v30, v35;
	v23 =	vmul.f32 v38, v38;
	v29 =	vsub.f32 v29, v3  }
0x75: {  	v30 =	vld [tilespmem:s25+$0x40];
	v60, _, _ =	vpop (xrf1);
	[tilespmem:s18+$0xFFFFFF80] =	vst v21;
	v28 =	vmul.f32 v28, v28;
	v32 =	vadd.f32 v34, v32;
	v31 =	vmin.f32 v59, v31  }
0x76: {  	v27 =	vmul.f32 v37, v37;
	v41 =	vperm.xlane v60, v2;
	v44 =	vld [tilespmem:s25+$0xFFFFFF90];
	(xrf1) =	vsort.ascd.msk.f32 $0xffff, v31, v31  }
0x77: {  	[tilespmem:s17+$0x50] =	vst v15;
	v51 =	vld [tilespmem:s20+$0xFFFFFF90];
	v23 =	vadd.f32 v28, v23;
	v28 =	vmul.f32 v29, v29;
	v43 =	vadd.f32 v12, v32  }
0x78: {  	v48 =	vld [tilespmem:s24+$0x60];
	v12 =	vmin.f32 v59, v41;
	v34 =	vsub.f32 v61, v4;
	v32 =	vsub.f32 v42, v3;
	v29, _, _ =	vpop (xrf1)  }
0x79: {  	v63 =	vld [tilespmem:s22+$0x60];
	(xrf1) =	vsort.ascd.msk.f32 $0xffff, v12, v12;
	v31 =	vperm.xlane v29, v2;
	v29 =	vadd.f32 v28, v23;
	v49, _, _ =	vpop (xrf1)  }
0x7a: {  	v25 =	vld [tilespmem:s19+$0xFFFFFF90];
	v12 =	vadd.f32 v62, v27;
	v27 =	vsub.f32 v58, v3;
	v28 =	vperm.xlane v49, v2  }
0x7b: {  	v50 =	vld [tilespmem:s23+$0x60];
	v23 =	vmin.f32 v57, v43;
	v31 =	vmin.f32 v59, v31;
	(xrf1) =	vsort.ascd.msk.f32 $0xffff, v29, v29  }
0x7c: {  	v58 =	vsub.f32 v44, v4;
	[tilespmem:s17+$0x20] =	vst v23;
	(xrf1) =	vsort.ascd.msk.f32 $0xffff, v31, v31;
	v52 =	vmin.f32 v59, v28  }
0x7d: {  	v41 =	vsub.f32 v51, v5;
	v54 =	vsub.f32 v48, v5;
	v53 =	vld [tilespmem:s24+$0x30];
	(xrf1) =	vsort.ascd.msk.f32 $0xffff, v52, v52  }
0x7e: {  	v31 =	vld [tilespmem:s22+$0x30];
	v28 =	vsub.f32 v30, v4;
	v30 =	vsub.f32 v63, v4;
	(xrf1) =	vsort.ascd.msk.f32 $0xffff, v19, v19  }
0x7f: {  	v12 =	vadd.f32 v33, v12;
	v33 =	vsub.f32 v25, v3  }
0x80: {  	v55 =	vld [tilespmem:s23+$0x30];
	v57 =	vmul.f32 v54, v54;
	v60, _, _ =	vpop (xrf1);
	v19 =	vsub.f32 v50, v3;
	v56 =	vmul.f32 v30, v30  }
0x81: {  	v25 =	vld [tilespmem:s17+$0x60];
	v40 =	vmul.f32 v41, v41;
	v39 =	vperm.xlane v60, v2;
	(xrf1) =	vsort.ascd.msk.f32 $0xffff, v22, v22  }
0x82: {  	v45, _, _ =	vpop (xrf1);
	v62 =	vsub.f32 v53, v5;
	v22 =	vadd.f32 v57, v56;
	v59 =	vmul.f32 v19, v19  }
0x83: {  	v36 =	vperm.xlane v45, v2;
	v61 =	vsub.f32 v31, v4;
	(xrf1) =	vsort.ascd.msk.f32 $0xffff, v35, v35  }
0x84: {  	v44 =	vmul.f32 v62, v62;
	(xrf1) =	vsort.ascd.msk.f32 $0xffff, v24, v24;
	v37 =	vadd.f32 v59, v22  }
0x85: {  	v30 =	vimm.f32 $-1.000000000e+00;
	v35, _, _ =	vpop (xrf1);
	v24 =	vsub.f32 v55, v3;
	v42 =	vmul.f32 v61, v61  }
0x86: {  	v31 =	vor.u32 s15, v0;
	v19 =	vimm.s32 $0x0;
	v63, _, _ =	vpop (xrf1);
	(xrf1) =	vsort.ascd.msk.f32 $0xffff, v43, v43;
	v25 =	vmin.f32 v25, v37  }
0x87: {  	s21 =	simm.s32 $0xC0;
	s26 =	simm.s32 $0xB0;
	s28 =	simm.s32 $0x200;
	v38 =	vld [tilespmem:s20+$0xFFFFFFD0];
	v45 =	vmin.f32 v63, v39;
	v42 =	vadd.f32 v44, v42;
	v43 =	vmul.f32 v24, v24;
	[tilespmem:s17+$0x60] =	vst v25  }
0x88: {  	v22 =	vor.u32 s21, v0;
	s21 =	simm.s32 $0x100;
	v39 =	vmul.f32 v58, v58;
	v24 =	vor.u32 s26, v0;
	(xrf1) =	vsort.ascd.msk.f32 $0xffff, v45, v45;
	s26 =	simm.s32 $0x180;
	v44, _, _ =	vpop (xrf1);
	v41 =	vld [tilespmem:s22+$0x70];
	s22 =	simm.s32 $0x0  }
.LBB2_5:
0x89: {  	p0 =	slt.u32 s28, $0x700;
	v44 =	vmin.f32 v44, v36;
	v48 =	vperm.xlane v35, v2;
	s29 =	sadd.s32 $0xA0, s22;
	v35 =	vadd.f32 v43, v42;
	v42 =	vld [tilespmem:s24+$0x70];
	v36, _, _ =	vpop (xrf1);
	s24 =	smov.u32 s20  }
0x8a: {  	v33 =	vmul.f32 v33, v33;
	s30 =	sadd.s32 $0x90, s22;
	v43 =	vperm.xlane v36, v2;
	v36 =	vor.u32 s29, v0;
	v46 =	vld [tilespmem:s23+$0x70];
	v47, _, _ =	vpop (xrf1);
	(xrf1) =	vsort.ascd.msk.f32 $0xffff, v44, v44;
	s23 =	smov.u32 s19  }
0x8b: {  	v39 =	vadd.f32 v40, v39;
	s29 =	sadd.s32 $0x20, s22;
	v44 =	vor.u32 s30, v0;
	v49 =	vmin.f32 v47, v48;
	v45, _, _ =	vpop (xrf1);
	(xrf1) =	vsort.ascd.msk.f32 $0xffff, v35, v35  }
0x8c: {  	s30 =	sadd.s32 $0x10, s22;
	v48 =	vor.u32 s29, v0;
	v47 =	vld [tilespmem:s18+$0xFFFFFF90];
	v38 =	vsub.f32 v38, v5;
	v43 =	vmin.f32 v45, v43;
	(xrf1) =	vsort.ascd.msk.f32 $0xffff, v49, v49;
	v40, _, _ =	vpop (xrf1)  }
0x8d: {  	v33 =	vadd.f32 v33, v39;
	v39 =	vor.u32 s30, v0;
	v40 =	vperm.xlane v40, v2;
	(xrf1) =	vsort.ascd.msk.f32 $0xffff, v43, v43  }
0x8e: {  	vm0 =	vgt.f32 v10, v30;
	v41 =	vsub.f32 v41, v4;
	v43 =	vld [tilespmem:s17+$0xFFFFFFB0];
	v42 =	vsub.f32 v42, v5  }
0x8f: {  	v30 =	vsel vm0, v10, v30;
	v19 =	vsel vm0, v31, v19;
	v31 =	vsub.f32 v46, v3;
	v45, _, _ =	vpop (xrf1)  }
0x90: {  	v10 =	vmovc v21;
	vm0 =	vgt.f32 v9, v30;
	v41 =	vmul.f32 v41, v41;
	v46 =	vmul.f32 v42, v42  }
0x91: {  	v21 =	vsel vm0, v9, v30;
	v19 =	vsel vm0, v39, v19;
	v9 =	vmin.f32 v47, v33;
	v30 =	vld [tilespmem:s17+$0xFFFFFFF0];
	v39, _, _ =	vpop (xrf1)  }
0x92: {  	vm0 =	vgt.f32 v18, v21;
	v31 =	vmul.f32 v31, v31;
	v46 =	vadd.f32 v46, v41;
	v42, _, _ =	vpop (xrf1)  }
0x93: {  	s29 =	sadd.s32 $0x30, s22;
	v18 =	vsel vm0, v18, v21;
	v19 =	vsel vm0, v48, v19;
	v21 =	vmin.f32 v43, v26  }
0x94: {  	v26 =	vor.u32 s29, v0;
	vm0 =	vgt.f32 v21, v18;
	v31 =	vadd.f32 v31, v46;
	v41, _, _ =	vpop (xrf1);
	(xrf1) =	vsort.ascd.msk.f32 $0xffff, v37, v37  }
0x95: {  	s29 =	sadd.s32 $0x40, s22;
	[tilespmem:s17+$0xFFFFFFB0] =	vst v21;
	v18 =	vsel vm0, v21, v18;
	v19 =	vsel vm0, v26, v19;
	v21 =	vperm.xlane v42, v2  }
0x96: {  	v26 =	vor.u32 s29, v0;
	vm0 =	vgt.f32 v7, v18;
	v29 =	vmin.f32 v30, v29;
	v30, _, _ =	vpop (xrf1);
	(xrf1) =	vsort.ascd.msk.f32 $0xffff, v31, v31  }
0x97: {  	s29 =	sadd.s32 $0x50, s22;
	v7 =	vsel vm0, v7, v18;
	v18 =	vsel vm0, v26, v19;
	[tilespmem:s17+$0xFFFFFFF0] =	vst v29;
	v40 =	vmin.f32 v30, v40  }
0x98: {  	v26 =	vor.u32 s29, v0;
	v30 =	vperm.xlane v41, v2;
	vm0 =	vgt.f32 v14, v7;
	v37, _, _ =	vpop (xrf1);
	(xrf1) =	vsort.ascd.msk.f32 $0xffff, v40, v40  }
0x99: {  	s29 =	sadd.s32 $0x60, s22;
	v7 =	vsel vm0, v14, v7;
	v14 =	vsel vm0, v26, v18;
	v18 =	vmin.f32 v37, v21;
	v19, _, _ =	vpop (xrf1)  }
0x9a: {  	v26 =	vor.u32 s29, v0;
	v21 =	vld [tilespmem:s18+$0x0];
	vm0 =	vgt.f32 v20, v7;
	v19 =	vperm.xlane v19, v2;
	v37, _, _ =	vpop (xrf1);
	(xrf1) =	vsort.ascd.msk.f32 $0xffff, v18, v18  }
0x9b: {  	s29 =	sadd.s32 $0x70, s22;
	[tilespmem:s18+$0xFFFFFF90] =	vst v9;
	v7 =	vsel vm0, v20, v7;
	v14 =	vsel vm0, v26, v14;
	v18 =	vmin.f32 v37, v30;
	v20, _, _ =	vpop (xrf1)  }
0x9c: {  	v30 =	vor.u32 s29, v0;
	s29 =	sadd.s32 $0x80, s22;
	v26 =	vld [tilespmem:s25+$0xFFFFFFA0];
	vm0 =	vgt.f32 v29, v7;
	v19 =	vmin.f32 v20, v19;
	(xrf1) =	vsort.ascd.msk.f32 $0xffff, v18, v18  }
0x9d: {  	v18 =	vld [tilespmem:s20+$0xFFFFFFA0];
	v20 =	vsel vm0, v29, v7;
	v14 =	vsel vm0, v30, v14;
	v29 =	vor.u32 s29, v0;
	(xrf1) =	vsort.ascd.msk.f32 $0xffff, v19, v19  }
0x9e: {  	v19 =	vmul.f32 v34, v34;
	v30 =	vmul.f32 v38, v38;
	vm0 =	vgt.f32 v6, v20;
	v34 =	vld [tilespmem:s17+$0x30];
	v7 =	vmovc v13  }
0x9f: {  	v13 =	vld [tilespmem:s19+$0xFFFFFFA0];
	v20 =	vsel vm0, v6, v20;
	v6 =	vmin.f32 v21, v12;
	v14 =	vsel vm0, v29, v14  }
0xa0: {  	v21 =	vadd.f32 v30, v19;
	v29 =	vmul.f32 v32, v32;
	vm0 =	vgt.f32 v16, v20  }
0xa1: {  	v19 =	vperm.xlane v45, v2;
	v16 =	vsel vm0, v16, v20;
	v14 =	vsel vm0, v44, v14;
	v20 =	vld [tilespmem:s17+$0x70]  }
0xa2: {  	v26 =	vsub.f32 v26, v4;
	v18 =	vsub.f32 v18, v5;
	vm0 =	vgt.f32 v23, v16;
	v30, _, _ =	vpop (xrf1)  }
0xa3: {  	v32 =	vld [tilespmem:s18+$0x40];
	v16 =	vsel vm0, v23, v16;
	v14 =	vsel vm0, v36, v14;
	v23 =	vmin.f32 v34, v35  }
0xa4: {  	v26 =	vmul.f32 v26, v26;
	v13 =	vsub.f32 v13, v3;
	v34 =	vld [tilespmem:s20+$0x40];
	[tilespmem:s17+$0x30] =	vst v23;
	vm0 =	vgt.f32 v23, v16;
	v35, _, _ =	vpop (xrf1)  }
0xa5: {  	v18 =	vmul.f32 v18, v18;
	v36 =	vld [tilespmem:s18+$0xFFFFFFD0];
	v16 =	vsel vm0, v23, v16;
	v14 =	vsel vm0, v24, v14  }
0xa6: {  	s19 =	sadd.s32 $0x100, s19;
	v23 =	vperm.xlane v39, v2;
	v24 =	vld [tilespmem:s18+$0xFFFFFFA0];
	vm0 =	vgt.f32 v8, v16;
	v20 =	vmin.f32 v20, v31;
	v31, _, _ =	vpop (xrf1)  }
0xa7: {  	s25 =	sadd.s32 $0x100, s25;
	s29 =	sadd.s32 $0xD0, s22;
	v37 =	vld [tilespmem:s19+$0x0];
	v8 =	vsel vm0, v8, v16;
	v14 =	vsel vm0, v22, v14;
	v16 =	vmin.f32 v31, v19;
	[tilespmem:s17+$0x70] =	vst v20;
	s17 =	smov.u32 s18  }
0xa8: {  	v30 =	vperm.xlane v30, v2;
	v19 =	vor.u32 s29, v0;
	v22 =	vld [tilespmem:s25+$0x0];
	vm0 =	vgt.f32 v15, v8;
	v31, _, _ =	vpop (xrf1);
	(xrf1) =	vsort.ascd.msk.f32 $0xffff, v16, v16  }
0xa9: {  	s29 =	sadd.s32 $0xE0, s22;
	v16 =	vld [tilespmem:s19+$0xFFFFFFC0];
	v8 =	vsel vm0, v15, v8;
	v14 =	vsel vm0, v19, v14;
	v15 =	vmin.f32 v31, v23  }
0xaa: {  	s20 =	sadd.s32 $0x100, s20;
	v19 =	vor.u32 s29, v0;
	v23 =	vperm.xlane v35, v2;
	v31 =	vld [tilespmem:s25+$0xFFFFFFC0];
	vm0 =	vgt.f32 v25, v8;
	v35, _, _ =	vpop (xrf1);
	(xrf1) =	vsort.ascd.msk.f32 $0xffff, v15, v15  }
0xab: {  	s29 =	sadd.s32 $0xF0, s22;
	s22 =	smov.u32 s21;
	s21 =	smov.u32 s28;
	v15 =	vld [tilespmem:s20+$0xFFFFFFC0];
	v8 =	vsel vm0, v25, v8;
	v14 =	vsel vm0, v19, v14;
	v19 =	vmin.f32 v35, v30;
	v25, _, _ =	vpop (xrf1)  }
0xac: {  	v38 =	vor.u32 s29, v0;
	v35 =	vld [tilespmem:s19+$0xFFFFFF80];
	vm0 =	vgt.f32 v20, v8;
	v23 =	vmin.f32 v25, v23;
	(xrf1) =	vsort.ascd.msk.f32 $0xffff, v19, v19  }
0xad: {  	v25 =	vld [tilespmem:s25+$0xFFFFFF80];
	[tilespmem:s18+$0x0] =	vst v6;
	v30 =	vsel vm0, v20, v8;
	v19 =	vsel vm0, v38, v14;
	(xrf1) =	vsort.ascd.msk.f32 $0xffff, v23, v23  }
0xae: {  	v13 =	vmul.f32 v13, v13;
	v8 =	vadd.f32 v18, v26;
	v23 =	vadd.f32 v29, v21;
	v20 =	vld [tilespmem:s26+$0x10]  }
0xaf: {  	v21 =	vsub.f32 v37, v3;
	v18 =	vsub.f32 v34, v5;
	v26 =	vld [tilespmem:s24+$0x10]  }
0xb0: {  	v34 =	vsub.f32 v22, v4;
	v13 =	vadd.f32 v13, v8;
	v14 =	vmin.f32 v36, v23;
	v29 =	vld [tilespmem:s20+$0xFFFFFF80]  }
0xb1: {  	v36 =	vsub.f32 v16, v3;
	v8 =	vmul.f32 v28, v28;
	v22 =	vmul.f32 v18, v18;
	[tilespmem:s18+$0xFFFFFFD0] =	vst v14;
	v16 =	vld [tilespmem:s23+$0x10]  }
0xb2: {  	v28 =	vsub.f32 v31, v4;
	v15 =	vsub.f32 v15, v5;
	v18 =	vmin.f32 v24, v13;
	v24 =	vld [tilespmem:s26+$0xFFFFFFE0]  }
0xb3: {  	v31 =	vsub.f32 v35, v3;
	v8 =	vadd.f32 v22, v8;
	v22 =	vmul.f32 v27, v27;
	[tilespmem:s18+$0xFFFFFFA0] =	vst v18;
	v35 =	vld [tilespmem:s24+$0xFFFFFFE0]  }
0xb4: {  	v20 =	vsub.f32 v20, v4;
	v27 =	vld [tilespmem:s26+$0xFFFFFFB0];
	v26 =	vsub.f32 v26, v5  }
0xb5: {  	v25 =	vsub.f32 v25, v4;
	v22 =	vadd.f32 v22, v8;
	v37 =	vld [tilespmem:s24+$0xFFFFFFB0]  }
0xb6: {  	v29 =	vsub.f32 v29, v5;
	v20 =	vmul.f32 v20, v20;
	v38 =	vld [tilespmem:s23+$0xFFFFFFE0];
	v26 =	vmul.f32 v26, v26;
	v39, _, _ =	vpop (xrf1)  }
0xb7: {  	v28 =	vmul.f32 v28, v28;
	v15 =	vmul.f32 v15, v15;
	v8 =	vmin.f32 v32, v22;
	v40 =	vld [tilespmem:s23+$0xFFFFFFB0]  }
0xb8: {  	v25 =	vmul.f32 v25, v25;
	v16 =	vsub.f32 v16, v3;
	v20 =	vadd.f32 v26, v20;
	v26 =	vld [tilespmem:s18+$0x10];
	[tilespmem:s18+$0x40] =	vst v8;
	v32, _, _ =	vpop (xrf1)  }
0xb9: {  	v24 =	vsub.f32 v24, v4;
	v35 =	vsub.f32 v35, v5;
	v41 =	vld [tilespmem:s26+$0x50];
	(xrf1) =	vsort.ascd.msk.f32 $0xffff, v17, v17  }
0xba: {  	v16 =	vmul.f32 v16, v16;
	v17 =	vsub.f32 v27, v4;
	v27 =	vsub.f32 v37, v5;
	v37 =	vld [tilespmem:s24+$0x50];
	v42, _, _ =	vpop (xrf1)  }
0xbb: {  	v43 =	vmul.f32 v24, v24;
	v35 =	vmul.f32 v35, v35;
	v38 =	vsub.f32 v38, v3;
	v44 =	vld [tilespmem:s18+$0x50];
	v45, _, _ =	vpop (xrf1)  }
0xbc: {  	v17 =	vmul.f32 v17, v17;
	v40 =	vsub.f32 v40, v3;
	v27 =	vmul.f32 v27, v27;
	v46 =	vld [tilespmem:s23+$0x50]  }
0xbd: {  	v24 =	vadd.f32 v16, v20;
	v38 =	vmul.f32 v38, v38;
	v47 =	vld [tilespmem:s18+$0xFFFFFFE0];
	(xrf1) =	vsort.ascd.msk.f32 $0xffff, v33, v33  }
0xbe: {  	s18 =	sadd.s32 $0x100, s18;
	v33 =	vld [tilespmem:s20+$0x0];
	v17 =	vadd.f32 v27, v17;
	v20 =	vmul.f32 v40, v40;
	v27 =	vadd.f32 v35, v43  }
0xbf: {  	v16 =	vmin.f32 v26, v24;
	v40 =	vsub.f32 v41, v4;
	v35 =	vld [tilespmem:s18+$0xFFFFFFC0];
	v37 =	vsub.f32 v37, v5  }
0xc0: {  	v29 =	vmul.f32 v29, v29;
	v41 =	vld [tilespmem:s18+$0xFFFFFF80];
	v26 =	vadd.f32 v20, v17;
	v27 =	vadd.f32 v38, v27;
	[tilespmem:s17+$0x10] =	vst v16  }
0xc1: {  	v40 =	vmul.f32 v40, v40;
	v38 =	vld [tilespmem:s23+$0x20];
	v17 =	vsub.f32 v46, v3;
	(xrf1) =	vsort.ascd.msk.f32 $0xffff, v13, v13  }
0xc2: {  	v13 =	vmul.f32 v37, v37;
	v20 =	vmin.f32 v47, v27;
	v43 =	vld [tilespmem:s26+$0x20];
	(xrf1) =	vsort.ascd.msk.f32 $0xffff, v26, v26  }
0xc3: {  	v31 =	vmul.f32 v31, v31;
	v15 =	vadd.f32 v15, v28;
	v28 =	vmul.f32 v36, v36;
	[tilespmem:s17+$0xFFFFFFE0] =	vst v20;
	v36 =	vld [tilespmem:s24+$0x20]  }
0xc4: {  	v25 =	vadd.f32 v29, v25;
	v13 =	vadd.f32 v13, v40;
	v40 =	vmul.f32 v17, v17;
	v29 =	vld [tilespmem:s26+$0xFFFFFFF0]  }
0xc5: {  	v15 =	vadd.f32 v28, v15;
	v28 =	vsub.f32 v33, v5;
	v33 =	vld [tilespmem:s24+$0xFFFFFFF0]  }
0xc6: {  	v17 =	vadd.f32 v31, v25;
	v25 =	vmul.f32 v21, v21;
	v31 =	vadd.f32 v40, v13  }
0xc7: {  	v34 =	vmul.f32 v34, v34;
	v13 =	vmin.f32 v35, v15;
	v35 =	vld [tilespmem:s23+$0xFFFFFFF0];
	v37, _, _ =	vpop (xrf1);
	(xrf1) =	vsort.ascd.msk.f32 $0xffff, v11, v11;
	v11 =	vmov v15  }
0xc8: {  	v21 =	vmin.f32 v41, v17;
	v38 =	vsub.f32 v38, v3;
	v15 =	vmin.f32 v44, v31  }
0xc9: {  	v40 =	vsub.f32 v43, v4;
	v37 =	vperm.xlane v37, v2;
	v36 =	vsub.f32 v36, v5;
	v41 =	vld [tilespmem:s17+$0x20]  }
0xca: {  	v38 =	vmul.f32 v38, v38;
	v29 =	vsub.f32 v29, v4;
	v43 =	vld [tilespmem:s19+$0x40];
	v33 =	vsub.f32 v33, v5  }
0xcb: {  	v40 =	vmul.f32 v40, v40;
	v36 =	vmul.f32 v36, v36;
	[tilespmem:s18+$0xFFFFFFC0] =	vst v13;
	v44 =	vld [tilespmem:s25+$0x40];
	v46, _, _ =	vpop (xrf1);
	(xrf1) =	vsort.ascd.msk.f32 $0xffff, v23, v23  }
0xcc: {  	v29 =	vmul.f32 v29, v29;
	v47 =	vld [tilespmem:s19+$0xFFFFFFD0];
	v23 =	vsub.f32 v35, v3;
	v33 =	vmul.f32 v33, v33  }
0xcd: {  	v46 =	vperm.xlane v46, v2;
	v36 =	vadd.f32 v36, v40;
	[tilespmem:s18+$0xFFFFFF80] =	vst v21;
	v35 =	vld [tilespmem:s25+$0xFFFFFFD0];
	(xrf1) =	vsort.ascd.msk.f32 $0xffff, v27, v27  }
0xce: {  	v37 =	vmin.f32 v39, v37;
	v40 =	vld [tilespmem:s19+$0xFFFFFF90];
	v29 =	vadd.f32 v33, v29;
	v39 =	vmul.f32 v23, v23;
	[tilespmem:s17+$0x50] =	vst v15  }
0xcf: {  	v28 =	vmul.f32 v28, v28;
	v38 =	vadd.f32 v38, v36;
	v33 =	vld [tilespmem:s26+$0x60];
	(xrf1) =	vsort.ascd.msk.f32 $0xffff, v37, v37;
	v27, _, _ =	vpop (xrf1)  }
0xd0: {  	v32 =	vmin.f32 v32, v46;
	v27 =	vperm.xlane v27, v2;
	v29 =	vadd.f32 v39, v29;
	v36 =	vld [tilespmem:s24+$0x60];
	v23, _, _ =	vpop (xrf1)  }
0xd1: {  	v28 =	vadd.f32 v28, v34;
	v37 =	vld [tilespmem:s25+$0xFFFFFF90];
	v34 =	vperm.xlane v23, v2;
	(xrf1) =	vsort.ascd.msk.f32 $0xffff, v32, v32  }
0xd2: {  	v23 =	vmin.f32 v41, v38;
	v32 =	vmin.f32 v42, v27;
	v39 =	vld [tilespmem:s23+$0x60];
	(xrf1) =	vsort.ascd.msk.f32 $0xffff, v29, v29  }
0xd3: {  	v27 =	vsub.f32 v43, v3;
	v41 =	vld [tilespmem:s20+$0xFFFFFF90];
	v34 =	vmin.f32 v45, v34;
	[tilespmem:s17+$0x20] =	vst v23;
	(xrf1) =	vsort.ascd.msk.f32 $0xffff, v32, v32  }
0xd4: {  	v25 =	vadd.f32 v25, v28;
	v28 =	vsub.f32 v44, v4;
	v42 =	vld [tilespmem:s26+$0x30];
	(xrf1) =	vsort.ascd.msk.f32 $0xffff, v34, v34  }
0xd5: {  	v33 =	vsub.f32 v33, v4;
	v43 =	vld [tilespmem:s24+$0x30];
	v36 =	vsub.f32 v36, v5;
	v44, _, _ =	vpop (xrf1);
	(xrf1) =	vsort.ascd.msk.f32 $0xffff, v12, v12  }
0xd6: {  	v32 =	vsub.f32 v47, v3;
	v34 =	vsub.f32 v35, v4;
	v12 =	vmov v25  }
0xd7: {  	v25 =	vld [tilespmem:s23+$0x30];
	v35 =	vsub.f32 v39, v3;
	v39 =	vmul.f32 v33, v33;
	v46 =	vmul.f32 v36, v36  }
0xd8: {  	v45 =	vsub.f32 v37, v4;
	v33 =	vsub.f32 v40, v3;
	v40 =	vld [tilespmem:s17+$0x60];
	(xrf1) =	vsort.ascd.msk.f32 $0xffff, v22, v22  }
0xd9: {  	v41 =	vsub.f32 v41, v5;
	v22 =	vadd.f32 v46, v39;
	v46 =	vmul.f32 v35, v35;
	v36, _, _ =	vpop (xrf1)  }
0xda: {  	v39 =	vsub.f32 v42, v4;
	v42 =	vsub.f32 v43, v5;
	(xrf1) =	vsort.ascd.msk.f32 $0xffff, v31, v31  }
.Ltmp1:
0xdb: {  	v31 =	vor.u32 s22, v0;
	v43 =	vperm.xlane v44, v2;
	v37 =	vadd.f32 v46, v22;
	v35, _, _ =	vpop (xrf1);
	(xrf1) =	vsort.ascd.msk.f32 $0xffff, v24, v24;
	(pc) =	sbr.rel @p0 .LBB2_5-.Ltmp1, $4  }
0xdc: {  	s29 =	sadd.s32 $0xC0, s22;
	v39 =	vmul.f32 v39, v39;
	v24 =	vsub.f32 v25, v3;
	v42 =	vmul.f32 v42, v42  }
0xdd: {  	v36 =	vperm.xlane v36, v2;
	v22 =	vor.u32 s29, v0;
	v25 =	vmin.f32 v40, v37;
	v40, _, _ =	vpop (xrf1);
	(xrf1) =	vsort.ascd.msk.f32 $0xffff, v38, v38  }
0xde: {  	s29 =	sadd.s32 $0xB0, s22;
	v38 =	vld [tilespmem:s20+$0xFFFFFFD0];
	v46 =	vmin.f32 v40, v43;
	v42 =	vadd.f32 v42, v39;
	v43 =	vmul.f32 v24, v24;
	[tilespmem:s17+$0x60] =	vst v25  }
0xdf: {  	s28 =	sadd.s32 $0x100, s28;
	v39 =	vmul.f32 v45, v45;
	v40 =	vmul.f32 v41, v41;
	v24 =	vor.u32 s29, v0;
	v41 =	vld [tilespmem:s26+$0x70];
	v44, _, _ =	vpop (xrf1);
	(xrf1) =	vsort.ascd.msk.f32 $0xffff, v46, v46;
	s26 =	smov.u32 s25  }
0xe0: {  	v44 =	vmin.f32 v44, v36;
	v35 =	vperm.xlane v35, v2;
	v36 =	vadd.f32 v43, v42;
	v53, _, _ =	vpop (xrf1)  }
0xe1: {  	v45, _, _ =	vpop (xrf1);
	(xrf1) =	vsort.ascd.msk.f32 $0xffff, v44, v44  }
0xe2: {  	v35 =	vmin.f32 v45, v35;
	(xrf1) =	vsort.ascd.msk.f32 $0xffff, v36, v36  }
0xe3: {  	v54 =	vld [tilespmem:s24+$0x70];
	v56, _, _ =	vpop (xrf1);
	(xrf1) =	vsort.ascd.msk.f32 $0xffff, v35, v35;
	_ =	sdelay $0x1  }
0xe4: {  	v55 =	vld [tilespmem:s23+$0x70];
	v42 =	vperm.xlane v53, v2  }
0xe5: {  	v46 =	vld [tilespmem:s18+$0xFFFFFF90]  }
0xe6: {  	v33 =	vmul.f32 v33, v33;
	v39 =	vadd.f32 v40, v39;
	v57 =	vmin.f32 v56, v42  }
0xe7: {  	(xrf1) =	vsort.ascd.msk.f32 $0xffff, v57, v57;
	v58 =	vsub.f32 v41, v4;
	v59 =	vsub.f32 v54, v5  }
0xe8: {  	v60, _, _ =	vpop (xrf1);
	v39 =	vadd.f32 v33, v39  }
0xe9: {  	v61 =	vsub.f32 v55, v3;
	v35 =	vmul.f32 v58, v58;
	v44, _, _ =	vpop (xrf1);
	v41 =	vmul.f32 v59, v59  }
0xea: {  	v33 =	vmin.f32 v46, v39;
	v45, _, _ =	vpop (xrf1)  }
0xeb: {  	[tilespmem:s18+$0xFFFFFF90] =	vst v33;
	v62 =	vmul.f32 v61, v61;
	v35 =	vadd.f32 v41, v35;
	v63, _, _ =	vpop (xrf1)  }
0xec: {  	v34 =	vmul.f32 v34, v34;
	v55 =	vld [tilespmem:s25+$0xFFFFFFA0];
	v47, _, _ =	vpop (xrf1)  }
0xed: {  	v42 =	vperm.xlane v60, v2;
	(xrf1) =	vsort.ascd.msk.f32 $0xffff, v37, v37;
	v57 =	vld [tilespmem:s20+$0xFFFFFFA0];
	v35 =	vadd.f32 v62, v35;
	v48, _, _ =	vpop (xrf1)  }
0xee: {  	vm1 =	vgt.f32 v10, v30;
	v32 =	vmul.f32 v32, v32;
	v60 =	vld [tilespmem:s19+$0xFFFFFFA0];
	v49 =	vperm.xlane v63, v2;
	v50, _, _ =	vpop (xrf1)  }
0xef: {  	v51 =	vperm.xlane v47, v2;
	(xrf1) =	vsort.ascd.msk.f32 $0xffff, v35, v35;
	v37 =	vmin.f32 v48, v42;
	v52, _, _ =	vpop (xrf1)  }
0xf0: {  	v58 =	vld [tilespmem:s18+$0x0];
	v59 =	vsub.f32 v38, v5;
	(xrf1) =	vsort.ascd.msk.f32 $0xffff, v37, v37;
	v40 =	vmin.f32 v50, v49;
	v53, _, _ =	vpop (xrf1)  }
0xf1: {  	v61 =	vsub.f32 v55, v4;
	(xrf1) =	vsort.ascd.msk.f32 $0xffff, v40, v40;
	v37 =	vmin.f32 v53, v51  }
0xf2: {  	v40 =	vsub.f32 v57, v5;
	(xrf1) =	vsort.ascd.msk.f32 $0xffff, v37, v37;
	v37 =	vmul.f32 v59, v59  }
0xf3: {  	v43 =	vsel vm1, v10, v30;
	v63 =	vld [tilespmem:s18+$0xFFFFFFD0];
	v38 =	vsub.f32 v60, v3;
	v30 =	vmul.f32 v61, v61  }
0xf4: {  	v41 =	vperm.xlane v52, v2;
	v40 =	vmul.f32 v40, v40;
	v34 =	vadd.f32 v37, v34  }
0xf5: {  	v10 =	vmin.f32 v58, v12;
	v47 =	vld [tilespmem:s18+$0xFFFFFFA0];
	v38 =	vmul.f32 v38, v38;
	v54, _, _ =	vpop (xrf1)  }
0xf6: {  	v62 =	vld [tilespmem:s20+$0x40];
	v56 =	vmin.f32 v54, v41;
	v30 =	vadd.f32 v40, v30;
	v34 =	vadd.f32 v32, v34  }
0xf7: {  	[tilespmem:s18+$0x0] =	vst v10;
	(xrf1) =	vsort.ascd.msk.f32 $0xffff, v56, v56  }
0xf8: {  	v54 =	vld [tilespmem:s26+$0x10];
	v38 =	vadd.f32 v38, v30;
	v30 =	vmin.f32 v63, v34  }
0xf9: {  	v56 =	vld [tilespmem:s20+$0x10];
	[tilespmem:s18+$0xFFFFFFD0] =	vst v30  }
0xfa: {  	v49 =	vmul.f32 v28, v28;
	v28 =	vmin.f32 v47, v38;
	v60 =	vld [tilespmem:s26+$0xFFFFFFE0]  }
0xfb: {  	v42 =	vsub.f32 v62, v5;
	v52, _, _ =	vpop (xrf1);
	[tilespmem:s18+$0xFFFFFFA0] =	vst v28;
	v62 =	vld [tilespmem:s20+$0xFFFFFFE0]  }
0xfc: {  	v27 =	vmul.f32 v27, v27;
	vm0 =	vgt.f32 v9, v43;
	v41 =	vperm.xlane v52, v2;
	v52 =	vld [tilespmem:s26+$0xFFFFFFB0]  }
0xfd: {  	v44 =	vperm.xlane v44, v2;
	v42 =	vmul.f32 v42, v42;
	v50 =	vsub.f32 v54, v4;
	v53, _, _ =	vpop (xrf1);
	v54 =	vld [tilespmem:s19+$0xFFFFFFE0]  }
0xfe: {  	v9 =	vsel vm0, v9, v43;
	v55 =	vperm.xlane v45, v2;
	v58 =	vperm.xlane v53, v2;
	v53 =	vld [tilespmem:s20+$0xFFFFFFB0];
	v48, _, _ =	vpop (xrf1)  }
0xff: {  	v42 =	vadd.f32 v42, v49;
	v45 =	vsub.f32 v56, v5;
	v44 =	vmin.f32 v48, v44;
	v48 =	vld [tilespmem:s18+$0x40]  }
0x100: {  	vm2 =	vgt.f32 v18, v9;
	v57, _, _ =	vpop (xrf1);
	(xrf1) =	vsort.ascd.msk.f32 $0xffff, v44, v44;
	v44 =	vld [tilespmem:s19+$0x10]  }
0x101: {  	v32 =	vadd.f32 v27, v42;
	v45 =	vmul.f32 v45, v45;
	v37 =	vmin.f32 v57, v55  }
0x102: {  	v55 =	vmul.f32 v50, v50;
	v47 =	vsub.f32 v60, v4;
	v60 =	vsub.f32 v52, v4  }
0x103: {  	v57 =	vld [tilespmem:s19+$0xFFFFFFB0];
	v42 =	vsub.f32 v54, v3;
	v59, _, _ =	vpop (xrf1);
	(xrf1) =	vsort.ascd.msk.f32 $0xffff, v37, v37;
	v37 =	vsub.f32 v53, v5  }
0x104: {  	v56 =	vld [tilespmem:s17+$0xFFFFFFB0];
	v61 =	vmin.f32 v59, v41;
	v43 =	vadd.f32 v45, v55;
	v41 =	vsub.f32 v62, v5  }
0x105: {  	v63, _, _ =	vpop (xrf1);
	v47 =	vmul.f32 v47, v47;
	v62 =	vld [tilespmem:s18+$0xFFFFFFE0];
	v27 =	vmin.f32 v48, v32;
	v44 =	vsub.f32 v44, v3  }
0x106: {  	v40 =	vmin.f32 v63, v58;
	(xrf1) =	vsort.ascd.msk.f32 $0xffff, v61, v61;
	v58 =	vld [tilespmem:s18+$0x10];
	v37 =	vmul.f32 v37, v37;
	[tilespmem:s18+$0x40] =	vst v27  }
0x107: {  	(xrf1) =	vsort.ascd.msk.f32 $0xffff, v40, v40;
	v41 =	vmul.f32 v41, v41;
	v59 =	vld [tilespmem:s26+$0x50];
	v44 =	vmul.f32 v44, v44  }
0x108: {  	(xrf1) =	vsort.ascd.msk.f32 $0xffff, v17, v17;
	v61 =	vld [tilespmem:s20+$0x50];
	v17 =	vmul.f32 v60, v60;
	v40 =	vsub.f32 v57, v3  }
0x109: {  	v42 =	vmul.f32 v42, v42;
	v63 =	vld [tilespmem:s19+$0x50];
	v41 =	vadd.f32 v41, v47;
	v43 =	vadd.f32 v44, v43  }
0x10a: {  	v52 =	vsel vm2, v18, v9;
	v53 =	vadd.f32 v37, v17;
	v54 =	vmul.f32 v40, v40  }
0x10b: {  	(xrf1) =	vsort.ascd.msk.f32 $0xffff, v39, v39;
	v40 =	vadd.f32 v42, v41;
	v17 =	vmin.f32 v58, v43  }
0x10c: {  	v9 =	vmin.f32 v56, v26;
	(xrf1) =	vsort.ascd.msk.f32 $0xffff, v38, v38;
	v26 =	vadd.f32 v54, v53;
	[tilespmem:s18+$0x10] =	vst v17  }
0x10d: {  	v55 =	vsub.f32 v59, v4;
	v56 =	vsub.f32 v61, v5;
	v18 =	vmin.f32 v62, v40;
	v57 =	vld [tilespmem:s26+$0x20]  }
0x10e: {  	vm3 =	vgt.f32 v9, v52;
	v58 =	vsub.f32 v63, v3;
	[tilespmem:s18+$0xFFFFFFE0] =	vst v18;
	(xrf1) =	vsort.ascd.msk.f32 $0xffff, v26, v26;
	v59 =	vld [tilespmem:s20+$0x20]  }
0x10f: {  	v61 =	vsel vm3, v9, v52;
	v39 =	vmul.f32 v55, v55;
	v41 =	vmul.f32 v56, v56;
	v60 =	vld [tilespmem:s26+$0xFFFFFFF0]  }
0x110: {  	vm4 =	vgt.f32 v7, v61;
	v63 =	vld [tilespmem:s20+$0xFFFFFFF0]  }
0x111: {  	v53 =	vmul.f32 v58, v58;
	v7 =	vsel vm4, v7, v61;
	v54 =	vld [tilespmem:s19+$0x20];
	v39 =	vadd.f32 v41, v39  }
0x112: {  	(xrf1) =	vsort.ascd.msk.f32 $0xffff, v11, v11;
	v56 =	vld [tilespmem:s18+$0x50];
	vm5 =	vgt.f32 v14, v7  }
0x113: {  	v62, _, _ =	vpop (xrf1);
	(xrf1) =	vsort.ascd.msk.f32 $0xffff, v34, v34;
	v14 =	vsel vm5, v14, v7;
	v7 =	vld [tilespmem:s19+$0xFFFFFFF0];
	v39 =	vadd.f32 v53, v39  }
0x114: {  	v52, _, _ =	vpop (xrf1);
	(xrf1) =	vsort.ascd.msk.f32 $0xffff, v40, v40;
	v37 =	vsub.f32 v57, v4;
	v38 =	vsub.f32 v59, v5  }
0x115: {  	vm6 =	vgt.f32 v20, v14;
	v42, _, _ =	vpop (xrf1);
	v44 =	vsub.f32 v60, v4;
	v47 =	vsub.f32 v63, v5  }
0x116: {  	v57 =	vld [tilespmem:s17+$0xFFFFFFF0];
	v58 =	vsub.f32 v54, v3;
	v45, _, _ =	vpop (xrf1);
	v37 =	vmul.f32 v37, v37;
	v38 =	vmul.f32 v38, v38  }
0x117: {  	v63 =	vsel vm6, v20, v14;
	v55, _, _ =	vpop (xrf1);
	v44 =	vmul.f32 v44, v44;
	v47 =	vmul.f32 v47, v47  }
0x118: {  	v11 =	vmin.f32 v56, v39;
	v7 =	vsub.f32 v7, v3;
	v41 =	vperm.xlane v55, v2  }
0x119: {  	v60 =	vld [tilespmem:s18+$0x20];
	[tilespmem:s18+$0x50] =	vst v11;
	v61, _, _ =	vpop (xrf1);
	v37 =	vadd.f32 v38, v37;
	v44 =	vadd.f32 v47, v44;
	v38 =	vmul.f32 v58, v58  }
0x11a: {  	v50 =	vld [tilespmem:s26+$0x60];
	v40 =	vperm.xlane v61, v2;
	v59 =	vmin.f32 v62, v41;
	v62 =	vmul.f32 v7, v7  }
0x11b: {  	v54 =	vld [tilespmem:s20+$0x60];
	v49, _, _ =	vpop (xrf1);
	v7 =	vmin.f32 v57, v29;
	(xrf1) =	vsort.ascd.msk.f32 $0xffff, v59, v59;
	v34 =	vadd.f32 v38, v37  }
0x11c: {  	v51 =	vmin.f32 v52, v40;
	v52 =	vperm.xlane v49, v2;
	v20 =	vadd.f32 v62, v44;
	v53, _, _ =	vpop (xrf1)  }
0x11d: {  	vm7 =	vgt.f32 v7, v63;
	(xrf1) =	vsort.ascd.msk.f32 $0xffff, v51, v51;
	v55 =	vperm.xlane v53, v2  }
0x11e: {  	v57 =	vld [tilespmem:s19+$0x60];
	v14 =	vmin.f32 v60, v34;
	v56 =	vmin.f32 v42, v52;
	(xrf1) =	vsort.ascd.msk.f32 $0xffff, v20, v20  }
0x11f: {  	v29 =	vsel vm7, v7, v63;
	[tilespmem:s18+$0x20] =	vst v14;
	(xrf1) =	vsort.ascd.msk.f32 $0xffff, v56, v56;
	v58 =	vmin.f32 v45, v55  }
0x120: {  	v61 =	vsub.f32 v50, v4;
	v62 =	vsub.f32 v54, v5;
	v59 =	vld [tilespmem:s26+$0x30];
	(xrf1) =	vsort.ascd.msk.f32 $0xffff, v58, v58  }
0x121: {  	vm8 =	vgt.f32 v6, v29;
	v60 =	vld [tilespmem:s20+$0x30]  }
0x122: {  	v6 =	vsel vm8, v6, v29;
	v29 =	vmul.f32 v61, v61;
	v37 =	vmul.f32 v62, v62  }
0x123: {  	vm9 =	vgt.f32 v16, v6;
	v63 =	vld [tilespmem:s19+$0x30];
	v44 =	vsub.f32 v57, v3  }
0x124: {  	v6 =	vsel vm9, v16, v6;
	v45, _, _ =	vpop (xrf1);
	v29 =	vadd.f32 v37, v29  }
0x125: {  	v16 =	vmul.f32 v44, v44;
	v40 =	vperm.xlane v45, v2;
	vm10 =	vgt.f32 v23, v6  }
0x126: {  	v48 =	vld [tilespmem:s18+$0x60];
	v49, _, _ =	vpop (xrf1);
	(xrf1) =	vsort.ascd.msk.f32 $0xffff, v12, v12;
	v46 =	vsub.f32 v59, v4;
	v47 =	vsub.f32 v60, v5  }
0x127: {  	v53 =	vperm.xlane v49, v2;
	v23 =	vsel vm10, v23, v6;
	(xrf1) =	vsort.ascd.msk.f32 $0xffff, v32, v32  }
0x128: {  	v50, _, _ =	vpop (xrf1);
	v12 =	vsub.f32 v63, v3;
	v32 =	vmul.f32 v46, v46;
	v38 =	vmul.f32 v47, v47  }
0x129: {  	v51 =	vld [tilespmem:s17+$0x30];
	v29 =	vadd.f32 v16, v29;
	v55 =	vperm.xlane v50, v2;
	(xrf1) =	vsort.ascd.msk.f32 $0xffff, v39, v39  }
0x12a: {  	(xrf1) =	vsort.ascd.msk.f32 $0xffff, v43, v43;
	v54 =	vmul.f32 v12, v12;
	v32 =	vadd.f32 v38, v32;
	v52, _, _ =	vpop (xrf1)  }
0x12b: {  	(xrf1) =	vsort.ascd.msk.f32 $0xffff, v34, v34;
	v12 =	vmin.f32 v48, v29;
	v16 =	vmin.f32 v52, v40;
	v6, _, _ =	vpop (xrf1)  }
0x12c: {  	[tilespmem:s18+$0x60] =	vst v12;
	(xrf1) =	vsort.ascd.msk.f32 $0xffff, v16, v16;
	v34 =	vmin.f32 v6, v53;
	v16 =	vadd.f32 v54, v32;
	v56, _, _ =	vpop (xrf1)  }
0x12d: {  	v58 =	vld [tilespmem:s26+$0x70];
	(xrf1) =	vsort.ascd.msk.f32 $0xffff, v34, v34;
	v32 =	vperm.xlane v56, v2;
	v57, _, _ =	vpop (xrf1)  }
0x12e: {  	v60 =	vld [tilespmem:s20+$0x70];
	v6 =	vmin.f32 v51, v36;
	(xrf1) =	vsort.ascd.msk.f32 $0xffff, v16, v16;
	v36 =	vmin.f32 v57, v55;
	v59, _, _ =	vpop (xrf1)  }
0x12f: {  	v62 =	vld [tilespmem:s19+$0x70];
	vm13 =	vgt.f32 v6, v23;
	(xrf1) =	vsort.ascd.msk.f32 $0xffff, v36, v36;
	v32 =	vmin.f32 v59, v32  }
0x130: {  	v61 =	vld [tilespmem:s17+$0x70];
	v23 =	vsel vm13, v6, v23;
	(xrf1) =	vsort.ascd.msk.f32 $0xffff, v32, v32  }
0x131: {  	vm14 =	vgt.f32 v8, v23  }
0x132: {  	s29 =	sadd.s32 $0x10, s22;
	v19 =	vsel vm1, v31, v19;
	v8 =	vsel vm14, v8, v23  }
0x133: {  	v38 =	vor.u32 s29, v0;
	v5 =	vsub.f32 v60, v5;
	vm11 =	vgt.f32 v15, v8  }
0x134: {  	v63 =	vsub.f32 v58, v4;
	v3 =	vsub.f32 v62, v3;
	v8 =	vsel vm11, v15, v8  }
0x135: {  	v4 =	vmin.f32 v61, v35;
	v5 =	vmul.f32 v5, v5;
	v37, _, _ =	vpop (xrf1);
	vm1 =	vgt.f32 v25, v8  }
0x136: {  	v3 =	vmul.f32 v3, v3;
	v39, _, _ =	vpop (xrf1);
	v15 =	vmul.f32 v63, v63;
	v8 =	vsel vm1, v25, v8  }
0x137: {  	s30 =	sadd.s32 $0x20, s22;
	v19 =	vsel vm0, v38, v19;
	v41, _, _ =	vpop (xrf1);
	vm0 =	vgt.f32 v4, v8  }
0x138: {  	v40 =	vor.u32 s30, v0;
	v5 =	vadd.f32 v5, v15;
	v42, _, _ =	vpop (xrf1);
	v8 =	vsel vm0, v4, v8  }
0x139: {  	v19 =	vsel vm2, v40, v19;
	v43, _, _ =	vpop (xrf1);
	vm2 =	vgt.f32 v21, v8  }
0x13a: {  	v31 =	vperm.xlane v37, v2;
	v8 =	vsel vm2, v21, v8;
	v21 =	vadd.f32 v3, v5;
	v3, _, _ =	vpop (xrf1)  }
0x13b: {  	(xrf1) =	vsort.ascd.msk.f32 $0xffff, v29, v29;
	v15 =	vperm.xlane v42, v2;
	v44, _, _ =	vpop (xrf1)  }
0x13c: {  	v25 =	vperm.xlane v43, v2;
	v5 =	vld [tilespmem:s18+$0xFFFFFFB0];
	(xrf1) =	vsort.ascd.msk.f32 $0xffff, v21, v21;
	v3 =	vmin.f32 v3, v31;
	v45, _, _ =	vpop (xrf1)  }
0x13d: {  	(xrf1) =	vsort.ascd.msk.f32 $0xffff, v3, v3;
	v3 =	vmin.f32 v44, v15;
	v46 =	vperm.xlane v45, v2;
	v47, _, _ =	vpop (xrf1)  }
0x13e: {  	vm12 =	vgt.f32 v33, v8;
	(xrf1) =	vsort.ascd.msk.f32 $0xffff, v3, v3;
	v3 =	vmin.f32 v47, v25;
	v48, _, _ =	vpop (xrf1)  }
0x13f: {  	v8 =	vsel vm12, v33, v8;
	(xrf1) =	vsort.ascd.msk.f32 $0xffff, v3, v3;
	v15 =	vmin.f32 v48, v46  }
0x140: {  	s31 =	sadd.s32 $0x30, s22;
	vm15 =	vgt.f32 v28, v8;
	(xrf1) =	vsort.ascd.msk.f32 $0xffff, v15, v15  }
0x141: {  	v49 =	vor.u32 s31, v0;
	s20 =	sadd.s32 $0x40, s22;
	v8 =	vsel vm15, v28, v8;
	v3 =	vmin.f32 v5, v26  }
0x142: {  	s23 =	sadd.s32 $0x50, s22;
	s24 =	sadd.s32 $0x60, s22;
	v50 =	vor.u32 s20, v0;
	v5 =	vsel vm3, v49, v19;
	vm3 =	vgt.f32 v3, v8  }
0x143: {  	s25 =	sadd.s32 $0x70, s22;
	v52 =	vor.u32 s24, v0;
	v51 =	vor.u32 s23, v0;
	v8 =	vsel vm3, v3, v8  }
0x144: {  	s28 =	sadd.s32 $0x90, s22;
	v53 =	vld [tilespmem:s18+$0xFFFFFFF0];
	v54 =	vor.u32 s25, v0;
	v5 =	vsel vm4, v50, v5;
	vm4 =	vgt.f32 v13, v8  }
0x145: {  	s26 =	sadd.s32 $0x80, s22;
	v56 =	vor.u32 s28, v0;
	v5 =	vsel vm5, v51, v5;
	v8 =	vsel vm4, v13, v8  }
0x146: {  	s29 =	sadd.s32 $0xA0, s22;
	v55 =	vor.u32 s26, v0;
	v5 =	vsel vm6, v52, v5;
	vm5 =	vgt.f32 v30, v8  }
0x147: {  	v57 =	vor.u32 s29, v0;
	v5 =	vsel vm7, v54, v5;
	v8 =	vsel vm5, v30, v8  }
0x148: {  	v59 =	vperm.xlane v39, v2;
	v5 =	vsel vm8, v55, v5;
	vm6 =	vgt.f32 v18, v8  }
0x149: {  	v58, _, _ =	vpop (xrf1);
	v13 =	vsel vm9, v56, v5;
	v5 =	vmin.f32 v53, v20;
	v8 =	vsel vm6, v18, v8  }
0x14a: {  	v61 =	vperm.xlane v41, v2;
	v13 =	vsel vm10, v57, v13;
	v60, _, _ =	vpop (xrf1);
	vm7 =	vgt.f32 v5, v8  }
0x14b: {  	v15 =	vperm.xlane v58, v2;
	v13 =	vsel vm13, v24, v13;
	v8 =	vsel vm7, v5, v8;
	v62, _, _ =	vpop (xrf1)  }
0x14c: {  	v63 =	vld [tilespmem:s18+$0x30];
	v28 =	vperm.xlane v60, v2;
	vm8 =	vgt.f32 v10, v8;
	v24 =	vmin.f32 v62, v59;
	v25, _, _ =	vpop (xrf1)  }
0x14d: {  	v8 =	vsel vm8, v10, v8;
	(xrf1) =	vsort.ascd.msk.f32 $0xffff, v24, v24;
	v26 =	vmin.f32 v25, v61;
	v29, _, _ =	vpop (xrf1)  }
0x14e: {  	s31 =	sadd.s32 $0xE0, s22;
	vm9 =	vgt.f32 v17, v8;
	(xrf1) =	vsort.ascd.msk.f32 $0xffff, v26, v26;
	v30 =	vmin.f32 v29, v15;
	v31, _, _ =	vpop (xrf1)  }
0x14f: {  	s30 =	sadd.s32 $0xD0, s22;
	v34 =	vor.u32 s31, v0;
	v8 =	vsel vm9, v17, v8;
	(xrf1) =	vsort.ascd.msk.f32 $0xffff, v30, v30;
	v15 =	vmin.f32 v31, v28  }
0x150: {  	v32 =	vor.u32 s30, v0;
	v13 =	vsel vm14, v22, v13;
	vm10 =	vgt.f32 v14, v8;
	(xrf1) =	vsort.ascd.msk.f32 $0xffff, v15, v15  }
0x151: {  	v35 =	vmin.f32 v63, v16;
	v33 =	vsel vm11, v32, v13;
	v8 =	vsel vm10, v14, v8  }
0x152: {  	s20 =	sadd.s32 $0xF0, s22;
	s22 =	sadd.s32 $0x10, s21;
	v10 =	vsel vm1, v34, v33;
	vm1 =	vgt.f32 v35, v8  }
0x153: {  	v38 =	vor.u32 s22, v0;
	v36 =	vor.u32 s20, v0;
	v8 =	vsel vm1, v35, v8  }
0x154: {  	s23 =	sadd.s32 $0x20, s21;
	v37 =	vor.u32 s21, v0;
	v39 =	vld [tilespmem:s18+$0x70];
	v10 =	vsel vm0, v36, v10;
	vm11 =	vgt.f32 v27, v8  }
0x155: {  	s24 =	sadd.s32 $0x30, s21;
	v40 =	vor.u32 s23, v0;
	v10 =	vsel vm2, v37, v10;
	v8 =	vsel vm11, v27, v8  }
0x156: {  	s25 =	sadd.s32 $0x40, s21;
	v41 =	vor.u32 s24, v0;
	v10 =	vsel vm12, v38, v10;
	vm12 =	vgt.f32 v11, v8  }
0x157: {  	s26 =	sadd.s32 $0x50, s21;
	v42 =	vor.u32 s25, v0;
	v10 =	vsel vm15, v40, v10;
	v8 =	vsel vm12, v11, v8  }
0x158: {  	v43 =	vor.u32 s26, v0;
	v10 =	vsel vm3, v41, v10;
	vm13 =	vgt.f32 v12, v8  }
0x159: {  	s28 =	sadd.s32 $0x60, s21;
	v13 =	vmin.f32 v39, v21;
	v10 =	vsel vm4, v42, v10;
	v8 =	vsel vm13, v12, v8  }
0x15a: {  	s29 =	sadd.s32 $0x70, s21;
	v44 =	vor.u32 s28, v0;
	v10 =	vsel vm5, v43, v10;
	vm14 =	vgt.f32 v13, v8  }
0x15b: {  	s30 =	sadd.s32 $0x80, s21;
	v45 =	vor.u32 s29, v0;
	v10 =	vsel vm6, v44, v10;
	v8 =	vsel vm14, v13, v8;
	v46, _, _ =	vpop (xrf1)  }
0x15c: {  	s31 =	sadd.s32 $0x90, s21;
	v47 =	vor.u32 s30, v0;
	v10 =	vsel vm7, v45, v10;
	v48, _, _ =	vpop (xrf1);
	(xrf0) =	vmax.scan.msk.f32 $0xffff, v8  }
0x15d: {  	s22 =	sadd.s32 $0xA0, s21;
	v49 =	vor.u32 s31, v0;
	v10 =	vsel vm8, v47, v10;
	v50, _, _ =	vpop (xrf1)  }
0x15e: {  	s23 =	sadd.s32 $0xB0, s21;
	v51 =	vor.u32 s22, v0;
	v10 =	vsel vm9, v49, v10;
	v15 =	vperm.xlane v48, v2;
	v52, _, _ =	vpop (xrf1)  }
0x15f: {  	s24 =	sadd.s32 $0xC0, s21;
	v53 =	vor.u32 s23, v0;
	v10 =	vsel vm10, v51, v10;
	v17 =	vperm.xlane v52, v2  }
0x160: {  	s25 =	sadd.s32 $0xD0, s21;
	v54 =	vor.u32 s24, v0;
	v10 =	vsel vm1, v53, v10;
	v12 =	vmin.f32 v46, v15  }
0x161: {  	s26 =	sadd.s32 $0xE0, s21;
	v55 =	vor.u32 s25, v0;
	v10 =	vsel vm11, v54, v10;
	(xrf1) =	vsort.ascd.msk.f32 $0xffff, v12, v12;
	v56 =	vmin.f32 v50, v17  }
0x162: {  	s28 =	sadd.s32 $0xF0, s21;
	v57 =	vor.u32 s26, v0;
	v10 =	vsel vm12, v55, v10;
	v58, _, _ =	vpop (xrf0);
	(xrf1) =	vsort.ascd.msk.f32 $0xffff, v56, v56  }
0x163: {  	v59 =	vor.u32 s28, v0;
	v10 =	vsel vm13, v57, v10;
	v60 =	vbroadcast v58, $0xF  }
0x164: {  	v10 =	vsel vm14, v59, v10  }
0x165: {  	v61 =	vxor.u32 $0x80000000, v10;
	vm15 =	veq.f32 v8, v60  }
0x166: {  	v8 =	vnsel vm15, $0x80000800, v61  }
0x167: {  	(xrf0) =	vmin.scan.msk.u32 $0xffff, v8;
	_ =	sdelay $0x5  }
0x168: {  	v8, _, _ =	vpop (xrf0)  }
0x169: {  	(v2sf) =	vpush v8, $0xF  }
0x16a: {  	v62, _, _ =	vpop (xrf1)  }
0x16b: {  	v63, _, _ =	vpop (xrf1)  }
0x16c: {  	v10 =	vperm.xlane v63, v2;
	_ =	sdelay $0x1  }
0x16d: {  	v8 =	vmin.f32 v62, v10  }
0x16e: {  	(xrf1) =	vsort.ascd.msk.f32 $0xffff, v8, v8;
	_ =	sdelay $0x6  }
0x16f: {  	[tilespmem:s17+$0xFFFFFFB0] =	vst v9  }
0x170: {  	[tilespmem:s17+$0xFFFFFFF0] =	vst v7  }
0x171: {  	[tilespmem:s17+$0x30] =	vst v6;
	s29 =	spop (v2sf)  }
0x172: {  	[tilespmem:s17+$0x70] =	vst v4;
	s30 =	sxor.u32 $0x80000000, s29  }
0x173: {  	[tilespmem:s18+$0xFFFFFFB0] =	vst v3;
	v3 =	vmov s30  }
0x174: {  	[tilespmem:s18+$0x30] =	vst v35;
	s31 =	sshll.u32 s16, $0x4;
	s16 =	sadd.s32 $0x1, s16  }
0x175: {  	p0 =	sne.s32 s16, $0x14;
	[tilespmem:s18+$0xFFFFFFF0] =	vst v5  }
.Ltmp2:
0x176: {  	s17 =	sand.u32 $0x3FFFFFF0, s31;
	[tilespmem:s18+$0x70] =	vst v13;
	v4, _, _ =	vpop (xrf1);
	(pc) =	sbr.rel @p0 .LBB2_4-.Ltmp2, $4  }
0x177: {  	[tilespmem:s17+$0x2000] =	vst v4  }
0x178: {  	v4 =	vld.idx.msk [tilespmem:v3+s2+$0x0], $0xffff  }
0x179: {  	v5 =	vld.idx.msk [tilespmem:v3+s11+$0x0], $0xffff  }
0x17a: {  	v3 =	vld.idx.msk [tilespmem:v3+s12+$0x0], $0xffff  }
0x17b: {  	s14 =	sadd.s32 $0x1, s14  }
0x17c: {  	p0 =	sne.s32 s14, s7  }
.Ltmp3:
0x17d: {  	_ = 	snop;
	(pc) =	sbr.rel @p0 .LBB2_1-.Ltmp3, $4  }
0x17e: {  	[hbm4b:s6+s8] =	stream.strided.scatter [tilespmem:s13], [sflag:$0x1], $0x180, s9, s8, $0x38;
	[tilespmem:$0x2180] =	vst v63  }
0x17f: {  	_ =	swait.ge [sflag:s10], $0x180  }
0x180: {  	[sflag:s10] =	ssyncset.done $0x0  }
0x181: {  	[sflag:s10] =	ssyncadd.s32 $0xFFFFFE80  }
0x182: {  	_ =	sfence.sel $0x180000  }
0x183: {  	[bflag:$0x0] =	sbarrier.arrive $0xFFFF  }
0x184: {  	p0 =	sne.s32 s1, $0x0;
	_ =	strace $0x90000047  }
0x185: {  	s0 =	sadd.s32 @!p0 $0x100000, s0;
	[bflag:$0x2] =	sbarrier.arrive $0xFFFF  }
0x186: {  	[sflag:s0] =	ssyncadd.tile.s32 @!p0 $0x1;
	_ =	shalt  }
.Lfunc_end2:
_tile_overlayer_lowered:
.L_overlay_start_2:
0x187: {  	(tag) =	ssettag $0x2  }
0x188: {  	s0 =	rddreg [dreg:$0x0];
	s2 =	stileid.u32  }
0x189: {  	s1 =	rddreg [dreg:$0x1];
	p0 =	sne.s32 s2, $0x0  }
0x18a: {  	s3 =	rddreg [dreg:$0x2];
	[bflag:$0x3] =	sbarrier.arrive $0xFFFF;
	s2 =	simm.s32 @!p0 $0x1C01  }
0x18b: {  	[timem:s3], [sflag:s2] =	dma.local @!p0 [hbm:s0], s1  }
0x18c: {  	s0 =	simm.s32 @!p0 $0x1  }
0x18d: {  	_ =	swait.ge @!p0 [sflag:s0], s1  }
0x18e: {  	s1 =	ssub.s32 @!p0 $0x0, s1;
	[sflag:s0] =	ssyncset.done @!p0 $0x0  }
0x18f: {  	[sflag:s0] =	ssyncadd.s32 @!p0 s1  }
0x190: {  	[bflag:$0x3] =	sbarrier.arrive $0xFFFF  }
0x191: {  	_ =	shalt  }

</sc_bundles>
